<compile_context>
chip_gen: v7x
topology: tpu7x:2x2x1
jax: 0.10.2.dev20260603
libtpu: 0.0.44.dev20260713+nightly
codegen_flags: <defaults>
</compile_context>

<pallas_src>
import functools

import jax
import jax.numpy as jnp
from jax import lax
from jax.experimental import pallas as pl
from jax.experimental.pallas import tpu as pltpu
from jax.experimental.pallas import tpu_sc as plsc

_B = 2
_N = 10000
_SF = 20
_H = 128
_L = _N * _SF
_EB = 1600
_NBN = _EB // _SF
_NBLK = _L // _EB
_CB = 512
_NCH = (_B * _L + _CB - 1) // _CB
_PADR = _NCH * _CB
_LI = _L + _EB

_pallas_call = pl.pallas_call



def _dotT(a, w):
    return lax.dot_general(a, w, (((1,), (1,)), ((), ())),
                           preferred_element_type=jnp.float32)


def _k1_body(x_ref, wn_ref, bn_ref, wt_ref, bt_ref, ux_ref, vx_ref):
    x = x_ref[0]
    ux_ref[0] = _dotT(x, wn_ref[...]) + bn_ref[...]
    vx_ref[0] = _dotT(x, wt_ref[...]) + bt_ref[...]


def _run_k1(x, Wn, bn2, Wt, bt2):
    full = pl.BlockSpec((_H, _H), lambda b: (0, 0))
    row = pl.BlockSpec((1, _H), lambda b: (0, 0))
    return _pallas_call(
        _k1_body,
        grid=(_B,),
        in_specs=[pl.BlockSpec((1, _N, _H), lambda b: (b, 0, 0)),
                  full, row, full, row],
        out_specs=[pl.BlockSpec((1, _N, _H), lambda b: (b, 0, 0))] * 2,
        out_shape=[jax.ShapeDtypeStruct((_B, _N, _H), jnp.float32)] * 2,
    )(x, Wn, bn2, Wt, bt2)


def _k2_body(e_ref, we_ref, be_ref, wu_ref, bu_ref, wi_ref, bi_ref, wph_ref,
             ve_ref, ue_ref, iue_ref):
    i = pl.program_id(1)
    eb = e_ref[0]
    z = _dotT(eb, we_ref[...]) + be_ref[...]
    z3 = z.reshape(_NBN, _SF, _H)
    m = jnp.max(z3, axis=1, keepdims=True)
    ex = jnp.exp(z3 - m)
    s = jnp.sum(ex, axis=1, keepdims=True)
    ve_ref[0] = (ex / s).reshape(_EB, _H)
    ue_ref[0] = _dotT(eb, wu_ref[...]) + bu_ref[...]
    iue = _dotT(eb, wi_ref[...]) + bi_ref[...]
    wph_rows = jnp.broadcast_to(wph_ref[...], (_EB, _H))
    iue_ref[0] = jnp.where(i == _NBLK, wph_rows, iue)


def _run_k2(e, We, be2, WU, bU2, WiU, biU2, Wph2):
    full = pl.BlockSpec((_H, _H), lambda b, i: (0, 0))
    row = pl.BlockSpec((1, _H), lambda b, i: (0, 0))
    eblk = pl.BlockSpec((1, _EB, _H),
                        lambda b, i: (b, jnp.minimum(i, _NBLK - 1), 0))
    return _pallas_call(
        _k2_body,
        grid=(_B, _NBLK + 1),
        in_specs=[eblk, full, row, full, row, full, row, row],
        out_specs=[eblk, eblk,
                   pl.BlockSpec((1, _EB, _H), lambda b, i: (b, i, 0))],
        out_shape=[jax.ShapeDtypeStruct((_B, _L, _H), jnp.float32),
                   jax.ShapeDtypeStruct((_B, _L, _H), jnp.float32),
                   jax.ShapeDtypeStruct((_B, _LI, _H), jnp.float32)],
    )(e, We, be2, WU, bU2, WiU, biU2, Wph2)


def _k4_body(ve_ref, vxg_ref, ux_ref, xt_ref):
    prod = ve_ref[0] * vxg_ref[...]
    to = jnp.sum(prod.reshape(_NBN, _SF, _H), axis=1)
    xt_ref[0] = ux_ref[0] + to


def _run_k4(ve, vxg_flat, ux):
    return _pallas_call(
        _k4_body,
        grid=(_B, _NBLK),
        in_specs=[pl.BlockSpec((1, _EB, _H), lambda b, i: (b, i, 0)),
                  pl.BlockSpec((_EB, _H), lambda b, i: (b * _NBLK + i, 0)),
                  pl.BlockSpec((1, _NBN, _H), lambda b, i: (b, i, 0))],
        out_specs=pl.BlockSpec((1, _NBN, _H), lambda b, i: (b, i, 0)),
        out_shape=jax.ShapeDtypeStruct((_B, _N, _H), jnp.float32),
    )(ve, vxg_flat, ux)


def _stats_body(v_ref, st_ref):
    first = jnp.logical_and(pl.program_id(0) == 0, pl.program_id(1) == 0)

    @pl.when(first)
    def _():
        st_ref[...] = jnp.zeros((8, _H), jnp.float32)

    v = v_ref[0].reshape(-1, _H)
    s = jnp.sum(v, axis=0, keepdims=True)
    ss = jnp.sum(v * v, axis=0, keepdims=True)
    st_ref[...] += jnp.concatenate([s, ss, jnp.zeros((6, _H), jnp.float32)], 0)


def _run_stats(arr, blk_rows, nblk):
    return _pallas_call(
        _stats_body,
        grid=(_B, nblk),
        in_specs=[pl.BlockSpec((1, blk_rows, _H), lambda b, i: (b, i, 0))],
        out_specs=pl.BlockSpec((8, _H), lambda b, i: (0, 0)),
        out_shape=jax.ShapeDtypeStruct((8, _H), jnp.float32),
    )(arr)


def _k5b_body(x_ref, xt_ref, st_ref, g_ref, bb_ref, wvf_ref, bvf_ref,
              wvt_ref, bvt_ref, xn_ref, vxf_ref, vxt_ref):
    cnt = jnp.float32(_B * _N)
    m = st_ref[0:1, :] / cnt
    v = st_ref[1:2, :] / cnt - m * m
    xt = xt_ref[0]
    norm = (xt - m) * lax.rsqrt(v + 1e-5) * g_ref[...] + bb_ref[...]
    xn = x_ref[0] + jnp.maximum(norm, 0.0)
    xn_ref[0] = xn
    vxf_ref[0] = _dotT(xn, wvf_ref[...]) + bvf_ref[...]
    vxt_ref[0] = _dotT(xn, wvt_ref[...]) + bvt_ref[...]


def _run_k5b(x, x_tmp, st, g2, b2, WVf, bVf2, WVt, bVt2):
    full = pl.BlockSpec((_H, _H), lambda b, i: (0, 0))
    row = pl.BlockSpec((1, _H), lambda b, i: (0, 0))
    nblk = pl.BlockSpec((1, _NBN, _H), lambda b, i: (b, i, 0))
    stat = pl.BlockSpec((8, _H), lambda b, i: (0, 0))
    return _pallas_call(
        _k5b_body,
        grid=(_B, _N // _NBN),
        in_specs=[nblk, nblk, stat, row, row, full, row, full, row],
        out_specs=[nblk] * 3,
        out_shape=[jax.ShapeDtypeStruct((_B, _N, _H), jnp.float32)] * 3,
    )(x, x_tmp, st, g2, b2, WVf, bVf2, WVt, bVt2)


def _k7_body(ue_ref, vxeg_ref, inv_ref, vxf_ref, et_ref, st_ref):
    first = jnp.logical_and(pl.program_id(0) == 0, pl.program_id(1) == 0)

    @pl.when(first)
    def _():
        st_ref[...] = jnp.zeros((8, _H), jnp.float32)

    vxe = vxeg_ref[...].reshape(_NBN, _SF, _H) + vxf_ref[0].reshape(_NBN, 1, _H)
    et = ue_ref[0] + vxe.reshape(_EB, _H) + inv_ref[...]
    et_ref[0] = et
    s = jnp.sum(et, axis=0, keepdims=True)
    ss = jnp.sum(et * et, axis=0, keepdims=True)
    st_ref[...] += jnp.concatenate([s, ss, jnp.zeros((6, _H), jnp.float32)], 0)


def _run_k7(ue, vxeg_flat, inv_flat, vxf):
    return _pallas_call(
        _k7_body,
        grid=(_B, _NBLK),
        in_specs=[pl.BlockSpec((1, _EB, _H), lambda b, i: (b, i, 0)),
                  pl.BlockSpec((_EB, _H), lambda b, i: (b * _NBLK + i, 0)),
                  pl.BlockSpec((_EB, _H), lambda b, i: (b * _NBLK + i, 0)),
                  pl.BlockSpec((1, _NBN, _H), lambda b, i: (b, i, 0))],
        out_specs=[pl.BlockSpec((1, _EB, _H), lambda b, i: (b, i, 0)),
                   pl.BlockSpec((8, _H), lambda b, i: (0, 0))],
        out_shape=[jax.ShapeDtypeStruct((_B, _L, _H), jnp.float32),
                   jax.ShapeDtypeStruct((8, _H), jnp.float32)],
    )(ue, vxeg_flat, inv_flat, vxf)


def _k8_body(e_ref, et_ref, st_ref, g_ref, bb_ref, en_ref):
    cnt = jnp.float32(_B * _L)
    m = st_ref[0:1, :] / cnt
    v = st_ref[1:2, :] / cnt - m * m
    norm = (et_ref[0] - m) * lax.rsqrt(v + 1e-5) * g_ref[...] + bb_ref[...]
    en_ref[0] = e_ref[0] + jnp.maximum(norm, 0.0)


def _run_k8(e, e_tmp, st, g2, b2):
    eblk = pl.BlockSpec((1, _EB, _H), lambda b, i: (b, i, 0))
    return _pallas_call(
        _k8_body,
        grid=(_B, _NBLK),
        in_specs=[eblk, eblk,
                  pl.BlockSpec((8, _H), lambda b, i: (0, 0)),
                  pl.BlockSpec((1, _H), lambda b, i: (0, 0)),
                  pl.BlockSpec((1, _H), lambda b, i: (0, 0))],
        out_specs=eblk,
        out_shape=jax.ShapeDtypeStruct((_B, _L, _H), jnp.float32),
    )(e, e_tmp, st, g2, b2)



def _gather_rows(table, idx_pad):
    info = plsc.get_sparse_core_info()
    nw = info.num_cores * info.num_subcores
    kmax = (_NCH + nw - 1) // nw
    mesh = plsc.VectorSubcoreMesh(core_axis_name="c", subcore_axis_name="s")

    @functools.partial(
        pl.kernel,
        mesh=mesh,
        out_type=jax.ShapeDtypeStruct((_PADR, _H), jnp.float32),
        scratch_types=[pltpu.VMEM((_CB,), jnp.int32),
                       pltpu.VMEM((_CB, _H), jnp.float32),
                       pltpu.SemaphoreType.DMA],
    )
    def k(table_hbm, idx_hbm, out_hbm, idx_v, rows_v, sem):
        wid = lax.axis_index("s") * info.num_cores + lax.axis_index("c")

        def body(kk, carry):
            c = wid + nw * kk

            @pl.when(c < _NCH)
            def _():
                base = c * _CB
                pltpu.sync_copy(idx_hbm.at[pl.ds(base, _CB)], idx_v)
                pltpu.async_copy(table_hbm.at[idx_v], rows_v, sem).wait()
                pltpu.sync_copy(rows_v, out_hbm.at[pl.ds(base, _CB)])

            return carry

        lax.fori_loop(0, kmax, body, 0)

    return k(table, idx_pad)



def kernel(x, e, edge_index, inverse_edge_index, Wn, bn, Wt, bt, We, be,
           WU, bU, WVf, bVf, WVt, bVt, WiU, biU, W_ph,
           g_node, b_node, g_edge, b_edge):
    r = lambda v: v.reshape(1, _H)
    boff = jnp.arange(_B, dtype=jnp.int32)[:, None]
    idx_e = (edge_index.astype(jnp.int32) + boff * _N).reshape(-1)
    idx_e = jnp.pad(idx_e, (0, _PADR - _B * _L))
    idx_inv = (inverse_edge_index.astype(jnp.int32) + boff * _LI).reshape(-1)
    idx_inv = jnp.pad(idx_inv, (0, _PADR - _B * _L))

    ux, vx = _run_k1(x, Wn, r(bn), Wt, r(bt))
    ve, ue, iue = _run_k2(e, We, r(be), WU, r(bU), WiU, r(biU), r(W_ph))

    vxg_flat = _gather_rows(vx.reshape(_B * _N, _H), idx_e)
    inv_flat = _gather_rows(iue.reshape(_B * _LI, _H), idx_inv)

    x_tmp = _run_k4(ve, vxg_flat, ux)
    st_n = _run_stats(x_tmp, _NBN, _N // _NBN)
    x_new, vxf, vxt = _run_k5b(x, x_tmp, st_n, r(g_node), r(b_node),
                               WVf, r(bVf), WVt, r(bVt))

    vxeg_flat = _gather_rows(vxt.reshape(_B * _N, _H), idx_e)

    e_tmp, st_e = _run_k7(ue, vxeg_flat, inv_flat, vxf)
    e_new = _run_k8(e, e_tmp, st_e, r(g_edge), r(b_edge))
    return (x_new, e_new)

# --- scband reference (transcript-rebuilt; emitter-appended) ---
"""Pipeline reference for scband-sparse-gcnlayer-40321152975477 (READ-ONLY COPY).

The authoritative reference and input builder live on the scoring server;
editing this copy changes nothing except your own understanding.
"""

import jax, jax.numpy as jnp
import numpy as np

B, N, SF, H = 2, 10000, 20, 128
L = N * SF


def _lin_params(k):
    k1, k2 = jax.random.split(k)
    W = jax.random.normal(k1, (H, H), jnp.float32) * 0.02
    b = jnp.zeros((H,), jnp.float32)
    return W, b


def setup_inputs(seed: int = 0) -> dict:
    key = jax.random.key(seed)
    ks = jax.random.split(key, 16)
    x = jax.random.normal(ks[0], (B, N, H), jnp.float32)
    e = jax.random.normal(ks[1], (B, L, H), jnp.float32)
    edge_index = jax.random.randint(ks[2], (B, L), 0, N, jnp.int64)
    inverse_edge_index = jax.random.randint(ks[3], (B, L), 0, L + 1, jnp.int64)
    Wn, bn = _lin_params(ks[4])
    Wt, bt = _lin_params(ks[5])
    We, be = _lin_params(ks[6])
    WU, bU = _lin_params(ks[7])
    WVf, bVf = _lin_params(ks[8])
    WVt, bVt = _lin_params(ks[9])
    WiU, biU = _lin_params(ks[10])
    W_ph = jax.random.uniform(ks[11], (H,), jnp.float32, -1.0, 1.0)
    g_node = jnp.ones((H,), jnp.float32)
    b_node = jnp.zeros((H,), jnp.float32)
    g_edge = jnp.ones((H,), jnp.float32)
    b_edge = jnp.zeros((H,), jnp.float32)
    return dict(x=x, e=e, edge_index=edge_index, inverse_edge_index=inverse_edge_index,
                Wn=Wn, bn=bn, Wt=Wt, bt=bt, We=We, be=be, WU=WU, bU=bU,
                WVf=WVf, bVf=bVf, WVt=WVt, bVt=bVt, WiU=WiU, biU=biU,
                W_ph=W_ph, g_node=g_node, b_node=b_node, g_edge=g_edge, b_edge=b_edge)


def _linear(t, W, b):
    return t @ W.T + b


def _bn(t, g, b, eps=1e-5):
    # BatchNorm1d over channel dim with batch stats (track_running_stats=False)
    m = t.mean(axis=(0, 1))
    v = jnp.var(t, axis=(0, 1))
    return (t - m) / jnp.sqrt(v + eps) * g + b


def reference(x, e, edge_index, inverse_edge_index, Wn, bn, Wt, bt, We, be,
              WU, bU, WVf, bVf, WVt, bVt, WiU, biU, W_ph,
              g_node, b_node, g_edge, b_edge):
    batch, nodes, hd = x.shape
    # ---- NodeFeatures ----
    Ux = _linear(x, Wn, bn)
    Vx = _linear(x, Wt, bt)
    Ve = _linear(e, We, be)
    Ve = jax.nn.softmax(Ve.reshape(batch, nodes, SF, hd), axis=2)
    Ve = Ve.reshape(batch, nodes * SF, hd)
    Vxg = jnp.take_along_axis(Vx, edge_index[:, :, None], axis=1)
    to = (Ve * Vxg).reshape(batch, nodes, SF, hd).sum(axis=2)
    x_tmp = Ux + to
    x_tmp = _bn(x_tmp, g_node, b_node)
    x_new = x + jax.nn.relu(x_tmp)
    # ---- EdgeFeatures (uses x_new) ----
    Ue = _linear(e, WU, bU)
    iUe = _linear(e, WiU, biU)
    iUe = jnp.concatenate([iUe, jnp.broadcast_to(W_ph.reshape(1, 1, hd), (batch, 1, hd))], axis=1)
    inv_emb = jnp.take_along_axis(iUe, inverse_edge_index[:, :, None], axis=1)
    Vx_from = _linear(x_new, WVf, bVf)
    Vx_to = _linear(x_new, WVt, bVt)
    Vxe = jnp.take_along_axis(Vx_to, edge_index[:, :, None], axis=1)
    Vxe = (Vxe.reshape(batch, -1, SF, 128) + Vx_from.reshape(batch, -1, 1, 128)).reshape(batch, -1, 128)
    e_tmp = Ue + Vxe + inv_emb
    e_tmp = _bn(e_tmp, g_edge, b_edge)
    e_new = e + jax.nn.relu(e_tmp)
    return (x_new, e_new)

if __name__ == "__main__":
    import jax
    _d = setup_inputs()
    print(jax.jit(kernel)(*tuple(_d.values())))

</pallas_src>

<mosaic_0001>
#map = affine_map<(d0, d1) -> (0, 0)>
#map1 = affine_map<(d0, d1) -> (0)>
module attributes {stable_mosaic.version = 14 : i64} {
  func.func @k(%arg0: i32, %arg1: i32, %arg2: memref<20000x128xf32, #tpu.memory_space<hbm>>, %arg3: memref<400384xi32, #tpu.memory_space<hbm>>, %arg4: memref<400384x128xf32, #tpu.memory_space<hbm>>, %arg5: memref<512xi32, #tpu.memory_space<vmem>>, %arg6: memref<512x128xf32, #tpu.memory_space<vmem>>, %arg7: memref<!tpu.dma_semaphore, #tpu.memory_space<semaphore_mem>>) attributes {dimension_semantics = [#tpu.dimension_semantics<core_parallel>, #tpu.dimension_semantics<subcore_parallel>], iteration_bounds = array<i64: 2, 16>, scalar_prefetch = 0 : i64, scratch_operands = 3 : i64, tpu.core_type = #tpu.core_type<sc_vector_subcore>, window_params = [{transform_indices = #map}, {transform_indices = #map1}, {transform_indices = #map}]} {
    %mul3A = arith.constant 2 : i32
    %mul3A_0 = arith.muli %arg1, %mul3A : i32
    %add3A = arith.addi %mul3A_0, %arg0 : i32
    %scan3A = arith.constant 0 : i32
    %scan3A_1 = arith.constant 0 : i32
    %scan3A_2 = arith.constant 25 : i32
    %scan3A_3 = arith.addi %scan3A_1, %scan3A_2 : i32
    %scan3A_4 = arith.constant 1 : i32
    scf.for %scan3A_6 = %scan3A_1 to %scan3A_3 step %scan3A_4  : i32 {
      %mul3A_7 = arith.constant 32 : i32
      %mul3A_8 = arith.muli %mul3A_7, %scan3A_6 : i32
      %add3A_9 = arith.addi %add3A, %mul3A_8 : i32
      %lt3A = arith.constant 782 : i32
      %lt3A_10 = arith.cmpi slt, %add3A_9, %lt3A : i32
      %convert_element_type3A = arith.extui %lt3A_10 : i1 to i32
      %cond3A = arith.constant 0 : i32
      %cond3A_11 = arith.cmpi ne, %convert_element_type3A, %cond3A : i32
      scf.if %cond3A_11 {
        %mul3A_12 = arith.constant 512 : i32
        %mul3A_13 = arith.muli %add3A_9, %mul3A_12 : i32
        "tpu.region"() ({
          %run_scoped3A = tpu.sem_alloc : memref<!tpu.dma_semaphore, #tpu.memory_space<semaphore_mem>>
          %dma_start3A_18 = tpu.memref_slice %arg3[%mul3A_13] : memref<400384xi32, #tpu.memory_space<hbm>> -> memref<512xi32, #tpu.memory_space<hbm>>
          %dma_start3A_19 = tpu.memref_slice %arg3[%mul3A_13] : memref<400384xi32, #tpu.memory_space<hbm>> -> memref<512xi32, #tpu.memory_space<hbm>>
          tpu.enqueue_dma source(%dma_start3A_19 : memref<512xi32, #tpu.memory_space<hbm>>) target(%arg5 : memref<512xi32, #tpu.memory_space<vmem>>) target_semaphore(%run_scoped3A : memref<!tpu.dma_semaphore, #tpu.memory_space<semaphore_mem>>)
          %dma_wait3A_20 = tpu.memref_slice %arg3[%mul3A_13] : memref<400384xi32, #tpu.memory_space<hbm>> -> memref<512xi32, #tpu.memory_space<hbm>>
          %dma_wait3A_21 = tpu.memref_slice %arg3[%mul3A_13] : memref<400384xi32, #tpu.memory_space<hbm>> -> memref<512xi32, #tpu.memory_space<hbm>>
          tpu.wait_dma2 semaphore(%run_scoped3A : memref<!tpu.dma_semaphore, #tpu.memory_space<semaphore_mem>>) src(%dma_wait3A_21 : memref<512xi32, #tpu.memory_space<hbm>>) dst(%arg5 : memref<512xi32, #tpu.memory_space<vmem>>)
          tpu.yield
        }) : () -> ()
        %dma_start3A = arith.constant 0 : i32
        %dma_start3A_14 = arith.constant 0 : i32
        %dma_start3A_15 = tpu.memref_slice %arg2[%dma_start3A, %dma_start3A_14] : memref<20000x128xf32, #tpu.memory_space<hbm>> -> memref<20000x128xf32, #tpu.memory_space<hbm>>
        tpu.enqueue_indirect_dma source(%dma_start3A_15 : memref<20000x128xf32, #tpu.memory_space<hbm>>) target(%arg6 : memref<512x128xf32, #tpu.memory_space<vmem>>) offsets(%arg5 : memref<512xi32, #tpu.memory_space<vmem>>) semaphore(%arg7 : memref<!tpu.dma_semaphore, #tpu.memory_space<semaphore_mem>>)
        %dma_wait3A = arith.constant 0 : i32
        %dma_wait3A_16 = arith.constant 0 : i32
        %dma_wait3A_17 = tpu.memref_slice %arg2[%dma_wait3A, %dma_wait3A_16] : memref<20000x128xf32, #tpu.memory_space<hbm>> -> memref<20000x128xf32, #tpu.memory_space<hbm>>
        tpu.wait_indirect_dma semaphore(%arg7 : memref<!tpu.dma_semaphore, #tpu.memory_space<semaphore_mem>>) src(%dma_wait3A_17 : memref<20000x128xf32, #tpu.memory_space<hbm>>) dst(%arg6 : memref<512x128xf32, #tpu.memory_space<vmem>>)
        "tpu.region"() ({
          %run_scoped3A = tpu.sem_alloc : memref<!tpu.dma_semaphore, #tpu.memory_space<semaphore_mem>>
          %dma_start3A_18 = arith.constant 0 : i32
          %dma_start3A_19 = tpu.memref_slice %arg4[%mul3A_13, %dma_start3A_18] : memref<400384x128xf32, #tpu.memory_space<hbm>> -> memref<512x128xf32, #tpu.memory_space<hbm>>
          %dma_start3A_20 = arith.constant 0 : i32
          %dma_start3A_21 = tpu.memref_slice %arg4[%mul3A_13, %dma_start3A_20] : memref<400384x128xf32, #tpu.memory_space<hbm>> -> memref<512x128xf32, #tpu.memory_space<hbm>>
          tpu.enqueue_dma source(%arg6 : memref<512x128xf32, #tpu.memory_space<vmem>>) target(%dma_start3A_21 : memref<512x128xf32, #tpu.memory_space<hbm>>) target_semaphore(%run_scoped3A : memref<!tpu.dma_semaphore, #tpu.memory_space<semaphore_mem>>)
          %dma_wait3A_22 = arith.constant 0 : i32
          %dma_wait3A_23 = tpu.memref_slice %arg4[%mul3A_13, %dma_wait3A_22] : memref<400384x128xf32, #tpu.memory_space<hbm>> -> memref<512x128xf32, #tpu.memory_space<hbm>>
          %dma_wait3A_24 = arith.constant 0 : i32
          %dma_wait3A_25 = tpu.memref_slice %arg4[%mul3A_13, %dma_wait3A_24] : memref<400384x128xf32, #tpu.memory_space<hbm>> -> memref<512x128xf32, #tpu.memory_space<hbm>>
          tpu.wait_dma2 semaphore(%run_scoped3A : memref<!tpu.dma_semaphore, #tpu.memory_space<semaphore_mem>>) src(%arg6 : memref<512x128xf32, #tpu.memory_space<vmem>>) dst(%dma_wait3A_25 : memref<512x128xf32, #tpu.memory_space<hbm>>)
          tpu.yield
        }) : () -> ()
      } else {
      }
    }
    %scan3A_5 = arith.constant 25 : i32
    return
  }
}

#map = affine_map<(d0, d1) -> (0, 0)>
#map1 = affine_map<(d0, d1) -> (0)>
module attributes {stable_mosaic.version = 14 : i64} {
  func.func @k(%arg0: i32, %arg1: i32, %arg2: memref<403200x128xf32, #tpu.memory_space<hbm>>, %arg3: memref<400384xi32, #tpu.memory_space<hbm>>, %arg4: memref<400384x128xf32, #tpu.memory_space<hbm>>, %arg5: memref<512xi32, #tpu.memory_space<vmem>>, %arg6: memref<512x128xf32, #tpu.memory_space<vmem>>, %arg7: memref<!tpu.dma_semaphore, #tpu.memory_space<semaphore_mem>>) attributes {dimension_semantics = [#tpu.dimension_semantics<core_parallel>, #tpu.dimension_semantics<subcore_parallel>], iteration_bounds = array<i64: 2, 16>, scalar_prefetch = 0 : i64, scratch_operands = 3 : i64, tpu.core_type = #tpu.core_type<sc_vector_subcore>, window_params = [{transform_indices = #map}, {transform_indices = #map1}, {transform_indices = #map}]} {
    %mul3A = arith.constant 2 : i32
    %mul3A_0 = arith.muli %arg1, %mul3A : i32
    %add3A = arith.addi %mul3A_0, %arg0 : i32
    %scan3A = arith.constant 0 : i32
    %scan3A_1 = arith.constant 0 : i32
    %scan3A_2 = arith.constant 25 : i32
    %scan3A_3 = arith.addi %scan3A_1, %scan3A_2 : i32
    %scan3A_4 = arith.constant 1 : i32
    scf.for %scan3A_6 = %scan3A_1 to %scan3A_3 step %scan3A_4  : i32 {
      %mul3A_7 = arith.constant 32 : i32
      %mul3A_8 = arith.muli %mul3A_7, %scan3A_6 : i32
      %add3A_9 = arith.addi %add3A, %mul3A_8 : i32
      %lt3A = arith.constant 782 : i32
      %lt3A_10 = arith.cmpi slt, %add3A_9, %lt3A : i32
      %convert_element_type3A = arith.extui %lt3A_10 : i1 to i32
      %cond3A = arith.constant 0 : i32
      %cond3A_11 = arith.cmpi ne, %convert_element_type3A, %cond3A : i32
      scf.if %cond3A_11 {
        %mul3A_12 = arith.constant 512 : i32
        %mul3A_13 = arith.muli %add3A_9, %mul3A_12 : i32
        "tpu.region"() ({
          %run_scoped3A = tpu.sem_alloc : memref<!tpu.dma_semaphore, #tpu.memory_space<semaphore_mem>>
          %dma_start3A_18 = tpu.memref_slice %arg3[%mul3A_13] : memref<400384xi32, #tpu.memory_space<hbm>> -> memref<512xi32, #tpu.memory_space<hbm>>
          %dma_start3A_19 = tpu.memref_slice %arg3[%mul3A_13] : memref<400384xi32, #tpu.memory_space<hbm>> -> memref<512xi32, #tpu.memory_space<hbm>>
          tpu.enqueue_dma source(%dma_start3A_19 : memref<512xi32, #tpu.memory_space<hbm>>) target(%arg5 : memref<512xi32, #tpu.memory_space<vmem>>) target_semaphore(%run_scoped3A : memref<!tpu.dma_semaphore, #tpu.memory_space<semaphore_mem>>)
          %dma_wait3A_20 = tpu.memref_slice %arg3[%mul3A_13] : memref<400384xi32, #tpu.memory_space<hbm>> -> memref<512xi32, #tpu.memory_space<hbm>>
          %dma_wait3A_21 = tpu.memref_slice %arg3[%mul3A_13] : memref<400384xi32, #tpu.memory_space<hbm>> -> memref<512xi32, #tpu.memory_space<hbm>>
          tpu.wait_dma2 semaphore(%run_scoped3A : memref<!tpu.dma_semaphore, #tpu.memory_space<semaphore_mem>>) src(%dma_wait3A_21 : memref<512xi32, #tpu.memory_space<hbm>>) dst(%arg5 : memref<512xi32, #tpu.memory_space<vmem>>)
          tpu.yield
        }) : () -> ()
        %dma_start3A = arith.constant 0 : i32
        %dma_start3A_14 = arith.constant 0 : i32
        %dma_start3A_15 = tpu.memref_slice %arg2[%dma_start3A, %dma_start3A_14] : memref<403200x128xf32, #tpu.memory_space<hbm>> -> memref<403200x128xf32, #tpu.memory_space<hbm>>
        tpu.enqueue_indirect_dma source(%dma_start3A_15 : memref<403200x128xf32, #tpu.memory_space<hbm>>) target(%arg6 : memref<512x128xf32, #tpu.memory_space<vmem>>) offsets(%arg5 : memref<512xi32, #tpu.memory_space<vmem>>) semaphore(%arg7 : memref<!tpu.dma_semaphore, #tpu.memory_space<semaphore_mem>>)
        %dma_wait3A = arith.constant 0 : i32
        %dma_wait3A_16 = arith.constant 0 : i32
        %dma_wait3A_17 = tpu.memref_slice %arg2[%dma_wait3A, %dma_wait3A_16] : memref<403200x128xf32, #tpu.memory_space<hbm>> -> memref<403200x128xf32, #tpu.memory_space<hbm>>
        tpu.wait_indirect_dma semaphore(%arg7 : memref<!tpu.dma_semaphore, #tpu.memory_space<semaphore_mem>>) src(%dma_wait3A_17 : memref<403200x128xf32, #tpu.memory_space<hbm>>) dst(%arg6 : memref<512x128xf32, #tpu.memory_space<vmem>>)
        "tpu.region"() ({
          %run_scoped3A = tpu.sem_alloc : memref<!tpu.dma_semaphore, #tpu.memory_space<semaphore_mem>>
          %dma_start3A_18 = arith.constant 0 : i32
          %dma_start3A_19 = tpu.memref_slice %arg4[%mul3A_13, %dma_start3A_18] : memref<400384x128xf32, #tpu.memory_space<hbm>> -> memref<512x128xf32, #tpu.memory_space<hbm>>
          %dma_start3A_20 = arith.constant 0 : i32
          %dma_start3A_21 = tpu.memref_slice %arg4[%mul3A_13, %dma_start3A_20] : memref<400384x128xf32, #tpu.memory_space<hbm>> -> memref<512x128xf32, #tpu.memory_space<hbm>>
          tpu.enqueue_dma source(%arg6 : memref<512x128xf32, #tpu.memory_space<vmem>>) target(%dma_start3A_21 : memref<512x128xf32, #tpu.memory_space<hbm>>) target_semaphore(%run_scoped3A : memref<!tpu.dma_semaphore, #tpu.memory_space<semaphore_mem>>)
          %dma_wait3A_22 = arith.constant 0 : i32
          %dma_wait3A_23 = tpu.memref_slice %arg4[%mul3A_13, %dma_wait3A_22] : memref<400384x128xf32, #tpu.memory_space<hbm>> -> memref<512x128xf32, #tpu.memory_space<hbm>>
          %dma_wait3A_24 = arith.constant 0 : i32
          %dma_wait3A_25 = tpu.memref_slice %arg4[%mul3A_13, %dma_wait3A_24] : memref<400384x128xf32, #tpu.memory_space<hbm>> -> memref<512x128xf32, #tpu.memory_space<hbm>>
          tpu.wait_dma2 semaphore(%run_scoped3A : memref<!tpu.dma_semaphore, #tpu.memory_space<semaphore_mem>>) src(%arg6 : memref<512x128xf32, #tpu.memory_space<vmem>>) dst(%dma_wait3A_25 : memref<512x128xf32, #tpu.memory_space<hbm>>)
          tpu.yield
        }) : () -> ()
      } else {
      }
    }
    %scan3A_5 = arith.constant 25 : i32
    return
  }
}

#map = affine_map<(d0, d1) -> (0, 0)>
#map1 = affine_map<(d0, d1) -> (0)>
module attributes {stable_mosaic.version = 14 : i64} {
  func.func @k(%arg0: i32, %arg1: i32, %arg2: memref<20000x128xf32, #tpu.memory_space<hbm>>, %arg3: memref<400384xi32, #tpu.memory_space<hbm>>, %arg4: memref<400384x128xf32, #tpu.memory_space<hbm>>, %arg5: memref<512xi32, #tpu.memory_space<vmem>>, %arg6: memref<512x128xf32, #tpu.memory_space<vmem>>, %arg7: memref<!tpu.dma_semaphore, #tpu.memory_space<semaphore_mem>>) attributes {dimension_semantics = [#tpu.dimension_semantics<core_parallel>, #tpu.dimension_semantics<subcore_parallel>], iteration_bounds = array<i64: 2, 16>, scalar_prefetch = 0 : i64, scratch_operands = 3 : i64, tpu.core_type = #tpu.core_type<sc_vector_subcore>, window_params = [{transform_indices = #map}, {transform_indices = #map1}, {transform_indices = #map}]} {
    %mul3A = arith.constant 2 : i32
    %mul3A_0 = arith.muli %arg1, %mul3A : i32
    %add3A = arith.addi %mul3A_0, %arg0 : i32
    %scan3A = arith.constant 0 : i32
    %scan3A_1 = arith.constant 0 : i32
    %scan3A_2 = arith.constant 25 : i32
    %scan3A_3 = arith.addi %scan3A_1, %scan3A_2 : i32
    %scan3A_4 = arith.constant 1 : i32
    scf.for %scan3A_6 = %scan3A_1 to %scan3A_3 step %scan3A_4  : i32 {
      %mul3A_7 = arith.constant 32 : i32
      %mul3A_8 = arith.muli %mul3A_7, %scan3A_6 : i32
      %add3A_9 = arith.addi %add3A, %mul3A_8 : i32
      %lt3A = arith.constant 782 : i32
      %lt3A_10 = arith.cmpi slt, %add3A_9, %lt3A : i32
      %convert_element_type3A = arith.extui %lt3A_10 : i1 to i32
      %cond3A = arith.constant 0 : i32
      %cond3A_11 = arith.cmpi ne, %convert_element_type3A, %cond3A : i32
      scf.if %cond3A_11 {
        %mul3A_12 = arith.constant 512 : i32
        %mul3A_13 = arith.muli %add3A_9, %mul3A_12 : i32
        "tpu.region"() ({
          %run_scoped3A = tpu.sem_alloc : memref<!tpu.dma_semaphore, #tpu.memory_space<semaphore_mem>>
          %dma_start3A_18 = tpu.memref_slice %arg3[%mul3A_13] : memref<400384xi32, #tpu.memory_space<hbm>> -> memref<512xi32, #tpu.memory_space<hbm>>
          %dma_start3A_19 = tpu.memref_slice %arg3[%mul3A_13] : memref<400384xi32, #tpu.memory_space<hbm>> -> memref<512xi32, #tpu.memory_space<hbm>>
          tpu.enqueue_dma source(%dma_start3A_19 : memref<512xi32, #tpu.memory_space<hbm>>) target(%arg5 : memref<512xi32, #tpu.memory_space<vmem>>) target_semaphore(%run_scoped3A : memref<!tpu.dma_semaphore, #tpu.memory_space<semaphore_mem>>)
          %dma_wait3A_20 = tpu.memref_slice %arg3[%mul3A_13] : memref<400384xi32, #tpu.memory_space<hbm>> -> memref<512xi32, #tpu.memory_space<hbm>>
          %dma_wait3A_21 = tpu.memref_slice %arg3[%mul3A_13] : memref<400384xi32, #tpu.memory_space<hbm>> -> memref<512xi32, #tpu.memory_space<hbm>>
          tpu.wait_dma2 semaphore(%run_scoped3A : memref<!tpu.dma_semaphore, #tpu.memory_space<semaphore_mem>>) src(%dma_wait3A_21 : memref<512xi32, #tpu.memory_space<hbm>>) dst(%arg5 : memref<512xi32, #tpu.memory_space<vmem>>)
          tpu.yield
        }) : () -> ()
        %dma_start3A = arith.constant 0 : i32
        %dma_start3A_14 = arith.constant 0 : i32
        %dma_start3A_15 = tpu.memref_slice %arg2[%dma_start3A, %dma_start3A_14] : memref<20000x128xf32, #tpu.memory_space<hbm>> -> memref<20000x128xf32, #tpu.memory_space<hbm>>
        tpu.enqueue_indirect_dma source(%dma_start3A_15 : memref<20000x128xf32, #tpu.memory_space<hbm>>) target(%arg6 : memref<512x128xf32, #tpu.memory_space<vmem>>) offsets(%arg5 : memref<512xi32, #tpu.memory_space<vmem>>) semaphore(%arg7 : memref<!tpu.dma_semaphore, #tpu.memory_space<semaphore_mem>>)
        %dma_wait3A = arith.constant 0 : i32
        %dma_wait3A_16 = arith.constant 0 : i32
        %dma_wait3A_17 = tpu.memref_slice %arg2[%dma_wait3A, %dma_wait3A_16] : memref<20000x128xf32, #tpu.memory_space<hbm>> -> memref<20000x128xf32, #tpu.memory_space<hbm>>
        tpu.wait_indirect_dma semaphore(%arg7 : memref<!tpu.dma_semaphore, #tpu.memory_space<semaphore_mem>>) src(%dma_wait3A_17 : memref<20000x128xf32, #tpu.memory_space<hbm>>) dst(%arg6 : memref<512x128xf32, #tpu.memory_space<vmem>>)
        "tpu.region"() ({
          %run_scoped3A = tpu.sem_alloc : memref<!tpu.dma_semaphore, #tpu.memory_space<semaphore_mem>>
          %dma_start3A_18 = arith.constant 0 : i32
          %dma_start3A_19 = tpu.memref_slice %arg4[%mul3A_13, %dma_start3A_18] : memref<400384x128xf32, #tpu.memory_space<hbm>> -> memref<512x128xf32, #tpu.memory_space<hbm>>
          %dma_start3A_20 = arith.constant 0 : i32
          %dma_start3A_21 = tpu.memref_slice %arg4[%mul3A_13, %dma_start3A_20] : memref<400384x128xf32, #tpu.memory_space<hbm>> -> memref<512x128xf32, #tpu.memory_space<hbm>>
          tpu.enqueue_dma source(%arg6 : memref<512x128xf32, #tpu.memory_space<vmem>>) target(%dma_start3A_21 : memref<512x128xf32, #tpu.memory_space<hbm>>) target_semaphore(%run_scoped3A : memref<!tpu.dma_semaphore, #tpu.memory_space<semaphore_mem>>)
          %dma_wait3A_22 = arith.constant 0 : i32
          %dma_wait3A_23 = tpu.memref_slice %arg4[%mul3A_13, %dma_wait3A_22] : memref<400384x128xf32, #tpu.memory_space<hbm>> -> memref<512x128xf32, #tpu.memory_space<hbm>>
          %dma_wait3A_24 = arith.constant 0 : i32
          %dma_wait3A_25 = tpu.memref_slice %arg4[%mul3A_13, %dma_wait3A_24] : memref<400384x128xf32, #tpu.memory_space<hbm>> -> memref<512x128xf32, #tpu.memory_space<hbm>>
          tpu.wait_dma2 semaphore(%run_scoped3A : memref<!tpu.dma_semaphore, #tpu.memory_space<semaphore_mem>>) src(%arg6 : memref<512x128xf32, #tpu.memory_space<vmem>>) dst(%dma_wait3A_25 : memref<512x128xf32, #tpu.memory_space<hbm>>)
          tpu.yield
        }) : () -> ()
      } else {
      }
    }
    %scan3A_5 = arith.constant 25 : i32
    return
  }
}

module attributes {stable_mosaic.version = 14 : i64} {
  func.func @_k1_body(%arg0: i32, %arg1: memref<1x10000x128xf32, #tpu.memory_space<vmem>>, %arg2: memref<128x128xf32, #tpu.memory_space<vmem>>, %arg3: memref<1x128xf32, #tpu.memory_space<vmem>>, %arg4: memref<128x128xf32, #tpu.memory_space<vmem>>, %arg5: memref<1x128xf32, #tpu.memory_space<vmem>>, %arg6: memref<1x10000x128xf32, #tpu.memory_space<vmem>>, %arg7: memref<1x10000x128xf32, #tpu.memory_space<vmem>>) attributes {dimension_semantics = [#tpu.dimension_semantics<arbitrary>], iteration_bounds = array<i64: 2>, scalar_prefetch = 0 : i64, scratch_operands = 0 : i64, tpu.core_type = #tpu.core_type<tc>, window_params = [{transform_indices = @transform_0, window_bounds = array<i64: 1, 10000, 128>}, {pipeline_mode = #tpu.pipeline_mode<synchronous>, transform_indices = @transform_1, window_bounds = array<i64: 128, 128>}, {pipeline_mode = #tpu.pipeline_mode<synchronous>, transform_indices = @transform_2, window_bounds = array<i64: 1, 128>}, {pipeline_mode = #tpu.pipeline_mode<synchronous>, transform_indices = @transform_3, window_bounds = array<i64: 128, 128>}, {pipeline_mode = #tpu.pipeline_mode<synchronous>, transform_indices = @transform_4, window_bounds = array<i64: 1, 128>}, {transform_indices = @transform_5, window_bounds = array<i64: 1, 10000, 128>}, {transform_indices = @transform_6, window_bounds = array<i64: 1, 10000, 128>}]} {
    %get3A = arith.constant 0 : index
    %get3A_0 = arith.constant 0 : index
    %get3A_1 = arith.constant 0 : index
    %get3A_2 = vector.load %arg1[%get3A, %get3A_0, %get3A_1] : memref<1x10000x128xf32, #tpu.memory_space<vmem>>, vector<1x10000x128xf32>
    %get3A_3 = vector.shape_cast %get3A_2 : vector<1x10000x128xf32> to vector<10000x128xf32>
    %get3A_4 = arith.constant 0 : index
    %get3A_5 = arith.constant 0 : index
    %get3A_6 = vector.load %arg2[%get3A_4, %get3A_5] : memref<128x128xf32, #tpu.memory_space<vmem>>, vector<128x128xf32>
    %dot_general3A = arith.constant dense<0.000000e+00> : vector<10000x128xf32>
    %dot_general3A_7 = tpu.matmul %get3A_3, %get3A_6, %dot_general3A {dimension_numbers = #tpu.dot_dimension_numbers<[1], [1], [0], [0], [0, 0, 1, 0], [], []>, transpose_lhs_hint = false} : vector<10000x128xf32>, vector<128x128xf32>, vector<10000x128xf32> -> vector<10000x128xf32>
    %get3A_8 = arith.constant 0 : index
    %get3A_9 = arith.constant 0 : index
    %get3A_10 = vector.load %arg3[%get3A_8, %get3A_9] : memref<1x128xf32, #tpu.memory_space<vmem>>, vector<1x128xf32>
    %add3A = vector.broadcast %get3A_10 : vector<1x128xf32> to vector<10000x128xf32>
    %add3A_11 = arith.addf %dot_general3A_7, %add3A : vector<10000x128xf32>
    %swap3A = arith.constant 0 : index
    %swap3A_12 = arith.constant 0 : index
    %swap3A_13 = arith.constant 0 : index
    %swap3A_14 = vector.load %arg6[%swap3A, %swap3A_12, %swap3A_13] : memref<1x10000x128xf32, #tpu.memory_space<vmem>>, vector<1x10000x128xf32>
    %swap3A_15 = vector.shape_cast %swap3A_14 : vector<1x10000x128xf32> to vector<10000x128xf32>
    %swap3A_16 = vector.shape_cast %add3A_11 : vector<10000x128xf32> to vector<1x10000x128xf32>
    tpu.vector_store %arg6[%swap3A, %swap3A_12, %swap3A_13], %swap3A_16 {strides = array<i32>} : memref<1x10000x128xf32, #tpu.memory_space<vmem>>, vector<1x10000x128xf32>,
    %get3A_17 = arith.constant 0 : index
    %get3A_18 = arith.constant 0 : index
    %get3A_19 = vector.load %arg4[%get3A_17, %get3A_18] : memref<128x128xf32, #tpu.memory_space<vmem>>, vector<128x128xf32>
    %dot_general3A_20 = arith.constant dense<0.000000e+00> : vector<10000x128xf32>
    %dot_general3A_21 = tpu.matmul %get3A_3, %get3A_19, %dot_general3A_20 {dimension_numbers = #tpu.dot_dimension_numbers<[1], [1], [0], [0], [0, 0, 1, 0], [], []>, transpose_lhs_hint = false} : vector<10000x128xf32>, vector<128x128xf32>, vector<10000x128xf32> -> vector<10000x128xf32>
    %get3A_22 = arith.constant 0 : index
    %get3A_23 = arith.constant 0 : index
    %get3A_24 = vector.load %arg5[%get3A_22, %get3A_23] : memref<1x128xf32, #tpu.memory_space<vmem>>, vector<1x128xf32>
    %add3A_25 = vector.broadcast %get3A_24 : vector<1x128xf32> to vector<10000x128xf32>
    %add3A_26 = arith.addf %dot_general3A_21, %add3A_25 : vector<10000x128xf32>
    %swap3A_27 = arith.constant 0 : index
    %swap3A_28 = arith.constant 0 : index
    %swap3A_29 = arith.constant 0 : index
    %swap3A_30 = vector.load %arg7[%swap3A_27, %swap3A_28, %swap3A_29] : memref<1x10000x128xf32, #tpu.memory_space<vmem>>, vector<1x10000x128xf32>
    %swap3A_31 = vector.shape_cast %swap3A_30 : vector<1x10000x128xf32> to vector<10000x128xf32>
    %swap3A_32 = vector.shape_cast %add3A_26 : vector<10000x128xf32> to vector<1x10000x128xf32>
    tpu.vector_store %arg7[%swap3A_27, %swap3A_28, %swap3A_29], %swap3A_32 {strides = array<i32>} : memref<1x10000x128xf32, #tpu.memory_space<vmem>>, vector<1x10000x128xf32>,
    return
  }
  func.func @transform_0(%arg0: i32) -> (i32, i32, i32) {
    %c0_i32 = arith.constant 0 : i32
    %c0_i32_0 = arith.constant 0 : i32
    %c0_i32_1 = arith.constant 0 : i32
    return %arg0, %c0_i32, %c0_i32_0 : i32, i32, i32
  }
  func.func @transform_1(%arg0: i32) -> (i32, i32) {
    %c0_i32 = arith.constant 0 : i32
    %c0_i32_0 = arith.constant 0 : i32
    %c0_i32_1 = arith.constant 0 : i32
    return %c0_i32, %c0_i32_0 : i32, i32
  }
  func.func @transform_2(%arg0: i32) -> (i32, i32) {
    %c0_i32 = arith.constant 0 : i32
    %c0_i32_0 = arith.constant 0 : i32
    %c0_i32_1 = arith.constant 0 : i32
    return %c0_i32, %c0_i32_0 : i32, i32
  }
  func.func @transform_3(%arg0: i32) -> (i32, i32) {
    %c0_i32 = arith.constant 0 : i32
    %c0_i32_0 = arith.constant 0 : i32
    %c0_i32_1 = arith.constant 0 : i32
    return %c0_i32, %c0_i32_0 : i32, i32
  }
  func.func @transform_4(%arg0: i32) -> (i32, i32) {
    %c0_i32 = arith.constant 0 : i32
    %c0_i32_0 = arith.constant 0 : i32
    %c0_i32_1 = arith.constant 0 : i32
    return %c0_i32, %c0_i32_0 : i32, i32
  }
  func.func @transform_5(%arg0: i32) -> (i32, i32, i32) {
    %c0_i32 = arith.constant 0 : i32
    %c0_i32_0 = arith.constant 0 : i32
    %c0_i32_1 = arith.constant 0 : i32
    return %arg0, %c0_i32, %c0_i32_0 : i32, i32, i32
  }
  func.func @transform_6(%arg0: i32) -> (i32, i32, i32) {
    %c0_i32 = arith.constant 0 : i32
    %c0_i32_0 = arith.constant 0 : i32
    %c0_i32_1 = arith.constant 0 : i32
    return %arg0, %c0_i32, %c0_i32_0 : i32, i32, i32
  }
}

module attributes {stable_mosaic.version = 14 : i64} {
  func.func @_k2_body(%arg0: i32, %arg1: i32, %arg2: memref<1x1600x128xf32, #tpu.memory_space<vmem>>, %arg3: memref<128x128xf32, #tpu.memory_space<vmem>>, %arg4: memref<1x128xf32, #tpu.memory_space<vmem>>, %arg5: memref<128x128xf32, #tpu.memory_space<vmem>>, %arg6: memref<1x128xf32, #tpu.memory_space<vmem>>, %arg7: memref<128x128xf32, #tpu.memory_space<vmem>>, %arg8: memref<1x128xf32, #tpu.memory_space<vmem>>, %arg9: memref<1x128xf32, #tpu.memory_space<vmem>>, %arg10: memref<1x1600x128xf32, #tpu.memory_space<vmem>>, %arg11: memref<1x1600x128xf32, #tpu.memory_space<vmem>>, %arg12: memref<1x1600x128xf32, #tpu.memory_space<vmem>>) attributes {dimension_semantics = [#tpu.dimension_semantics<arbitrary>, #tpu.dimension_semantics<arbitrary>], iteration_bounds = array<i64: 2, 126>, scalar_prefetch = 0 : i64, scratch_operands = 0 : i64, tpu.core_type = #tpu.core_type<tc>, window_params = [{transform_indices = @transform_0, window_bounds = array<i64: 1, 1600, 128>}, {pipeline_mode = #tpu.pipeline_mode<synchronous>, transform_indices = @transform_1, window_bounds = array<i64: 128, 128>}, {pipeline_mode = #tpu.pipeline_mode<synchronous>, transform_indices = @transform_2, window_bounds = array<i64: 1, 128>}, {pipeline_mode = #tpu.pipeline_mode<synchronous>, transform_indices = @transform_3, window_bounds = array<i64: 128, 128>}, {pipeline_mode = #tpu.pipeline_mode<synchronous>, transform_indices = @transform_4, window_bounds = array<i64: 1, 128>}, {pipeline_mode = #tpu.pipeline_mode<synchronous>, transform_indices = @transform_5, window_bounds = array<i64: 128, 128>}, {pipeline_mode = #tpu.pipeline_mode<synchronous>, transform_indices = @transform_6, window_bounds = array<i64: 1, 128>}, {pipeline_mode = #tpu.pipeline_mode<synchronous>, transform_indices = @transform_7, window_bounds = array<i64: 1, 128>}, {transform_indices = @transform_8, window_bounds = array<i64: 1, 1600, 128>}, {transform_indices = @transform_9, window_bounds = array<i64: 1, 1600, 128>}, {transform_indices = @transform_10, window_bounds = array<i64: 1, 1600, 128>}]} {
    %get3A = arith.constant 0 : index
    %get3A_0 = arith.constant 0 : index
    %get3A_1 = arith.constant 0 : index
    %get3A_2 = vector.load %arg2[%get3A, %get3A_0, %get3A_1] : memref<1x1600x128xf32, #tpu.memory_space<vmem>>, vector<1x1600x128xf32>
    %get3A_3 = vector.shape_cast %get3A_2 : vector<1x1600x128xf32> to vector<1600x128xf32>
    %get3A_4 = arith.constant 0 : index
    %get3A_5 = arith.constant 0 : index
    %get3A_6 = vector.load %arg3[%get3A_4, %get3A_5] : memref<128x128xf32, #tpu.memory_space<vmem>>, vector<128x128xf32>
    %dot_general3A = arith.constant dense<0.000000e+00> : vector<1600x128xf32>
    %dot_general3A_7 = tpu.matmul %get3A_3, %get3A_6, %dot_general3A {dimension_numbers = #tpu.dot_dimension_numbers<[1], [1], [0], [0], [0, 0, 1, 0], [], []>, transpose_lhs_hint = false} : vector<1600x128xf32>, vector<128x128xf32>, vector<1600x128xf32> -> vector<1600x128xf32>
    %get3A_8 = arith.constant 0 : index
    %get3A_9 = arith.constant 0 : index
    %get3A_10 = vector.load %arg4[%get3A_8, %get3A_9] : memref<1x128xf32, #tpu.memory_space<vmem>>, vector<1x128xf32>
    %add3A = vector.broadcast %get3A_10 : vector<1x128xf32> to vector<1600x128xf32>
    %add3A_11 = arith.addf %dot_general3A_7, %add3A : vector<1600x128xf32>
    %reshape3A = vector.shape_cast %add3A_11 : vector<1600x128xf32> to vector<80x20x128xf32>
    %reduce_max3A = arith.constant dense<0xFF800000> : vector<80x128xf32>
    %reduce_max3A_12 = vector.multi_reduction <maximumf>, %reshape3A, %reduce_max3A [1] : vector<80x20x128xf32> to vector<80x128xf32>
    %broadcast_in_dim3A = vector.shape_cast %reduce_max3A_12 : vector<80x128xf32> to vector<80x1x128xf32>
    %sub3A = vector.broadcast %broadcast_in_dim3A : vector<80x1x128xf32> to vector<80x20x128xf32>
    %sub3A_13 = arith.subf %reshape3A, %sub3A : vector<80x20x128xf32>
    %exp3A = math.exp %sub3A_13 : vector<80x20x128xf32>
    %reduce_sum3A = arith.constant dense<0.000000e+00> : vector<80x128xf32>
    %reduce_sum3A_14 = vector.multi_reduction <add>, %exp3A, %reduce_sum3A [1] : vector<80x20x128xf32> to vector<80x128xf32>
    %broadcast_in_dim3A_15 = vector.shape_cast %reduce_sum3A_14 : vector<80x128xf32> to vector<80x1x128xf32>
    %div3A = vector.broadcast %broadcast_in_dim3A_15 : vector<80x1x128xf32> to vector<80x20x128xf32>
    %div3A_16 = arith.divf %exp3A, %div3A : vector<80x20x128xf32>
    %reshape3A_17 = vector.shape_cast %div3A_16 : vector<80x20x128xf32> to vector<1600x128xf32>
    %swap3A = arith.constant 0 : index
    %swap3A_18 = arith.constant 0 : index
    %swap3A_19 = arith.constant 0 : index
    %swap3A_20 = vector.load %arg10[%swap3A, %swap3A_18, %swap3A_19] : memref<1x1600x128xf32, #tpu.memory_space<vmem>>, vector<1x1600x128xf32>
    %swap3A_21 = vector.shape_cast %swap3A_20 : vector<1x1600x128xf32> to vector<1600x128xf32>
    %swap3A_22 = vector.shape_cast %reshape3A_17 : vector<1600x128xf32> to vector<1x1600x128xf32>
    tpu.vector_store %arg10[%swap3A, %swap3A_18, %swap3A_19], %swap3A_22 {strides = array<i32>} : memref<1x1600x128xf32, #tpu.memory_space<vmem>>, vector<1x1600x128xf32>,
    %get3A_23 = arith.constant 0 : index
    %get3A_24 = arith.constant 0 : index
    %get3A_25 = vector.load %arg5[%get3A_23, %get3A_24] : memref<128x128xf32, #tpu.memory_space<vmem>>, vector<128x128xf32>
    %dot_general3A_26 = arith.constant dense<0.000000e+00> : vector<1600x128xf32>
    %dot_general3A_27 = tpu.matmul %get3A_3, %get3A_25, %dot_general3A_26 {dimension_numbers = #tpu.dot_dimension_numbers<[1], [1], [0], [0], [0, 0, 1, 0], [], []>, transpose_lhs_hint = false} : vector<1600x128xf32>, vector<128x128xf32>, vector<1600x128xf32> -> vector<1600x128xf32>
    %get3A_28 = arith.constant 0 : index
    %get3A_29 = arith.constant 0 : index
    %get3A_30 = vector.load %arg6[%get3A_28, %get3A_29] : memref<1x128xf32, #tpu.memory_space<vmem>>, vector<1x128xf32>
    %add3A_31 = vector.broadcast %get3A_30 : vector<1x128xf32> to vector<1600x128xf32>
    %add3A_32 = arith.addf %dot_general3A_27, %add3A_31 : vector<1600x128xf32>
    %swap3A_33 = arith.constant 0 : index
    %swap3A_34 = arith.constant 0 : index
    %swap3A_35 = arith.constant 0 : index
    %swap3A_36 = vector.load %arg11[%swap3A_33, %swap3A_34, %swap3A_35] : memref<1x1600x128xf32, #tpu.memory_space<vmem>>, vector<1x1600x128xf32>
    %swap3A_37 = vector.shape_cast %swap3A_36 : vector<1x1600x128xf32> to vector<1600x128xf32>
    %swap3A_38 = vector.shape_cast %add3A_32 : vector<1600x128xf32> to vector<1x1600x128xf32>
    tpu.vector_store %arg11[%swap3A_33, %swap3A_34, %swap3A_35], %swap3A_38 {strides = array<i32>} : memref<1x1600x128xf32, #tpu.memory_space<vmem>>, vector<1x1600x128xf32>,
    %get3A_39 = arith.constant 0 : index
    %get3A_40 = arith.constant 0 : index
    %get3A_41 = vector.load %arg7[%get3A_39, %get3A_40] : memref<128x128xf32, #tpu.memory_space<vmem>>, vector<128x128xf32>
    %dot_general3A_42 = arith.constant dense<0.000000e+00> : vector<1600x128xf32>
    %dot_general3A_43 = tpu.matmul %get3A_3, %get3A_41, %dot_general3A_42 {dimension_numbers = #tpu.dot_dimension_numbers<[1], [1], [0], [0], [0, 0, 1, 0], [], []>, transpose_lhs_hint = false} : vector<1600x128xf32>, vector<128x128xf32>, vector<1600x128xf32> -> vector<1600x128xf32>
    %get3A_44 = arith.constant 0 : index
    %get3A_45 = arith.constant 0 : index
    %get3A_46 = vector.load %arg8[%get3A_44, %get3A_45] : memref<1x128xf32, #tpu.memory_space<vmem>>, vector<1x128xf32>
    %add3A_47 = vector.broadcast %get3A_46 : vector<1x128xf32> to vector<1600x128xf32>
    %add3A_48 = arith.addf %dot_general3A_43, %add3A_47 : vector<1600x128xf32>
    %get3A_49 = arith.constant 0 : index
    %get3A_50 = arith.constant 0 : index
    %get3A_51 = vector.load %arg9[%get3A_49, %get3A_50] : memref<1x128xf32, #tpu.memory_space<vmem>>, vector<1x128xf32>
    %broadcast_in_dim3A_52 = vector.shape_cast %get3A_51 : vector<1x128xf32> to vector<1x128xf32>
    %broadcast_in_dim3A_53 = vector.broadcast %broadcast_in_dim3A_52 : vector<1x128xf32> to vector<1600x128xf32>
    %eq3A = arith.constant 125 : i32
    %eq3A_54 = arith.cmpi eq, %arg1, %eq3A : i32
    %select_n3A = arith.select %eq3A_54, %broadcast_in_dim3A_53, %add3A_48 : vector<1600x128xf32>
    %swap3A_55 = arith.constant 0 : index
    %swap3A_56 = arith.constant 0 : index
    %swap3A_57 = arith.constant 0 : index
    %swap3A_58 = vector.load %arg12[%swap3A_55, %swap3A_56, %swap3A_57] : memref<1x1600x128xf32, #tpu.memory_space<vmem>>, vector<1x1600x128xf32>
    %swap3A_59 = vector.shape_cast %swap3A_58 : vector<1x1600x128xf32> to vector<1600x128xf32>
    %swap3A_60 = vector.shape_cast %select_n3A : vector<1600x128xf32> to vector<1x1600x128xf32>
    tpu.vector_store %arg12[%swap3A_55, %swap3A_56, %swap3A_57], %swap3A_60 {strides = array<i32>} : memref<1x1600x128xf32, #tpu.memory_space<vmem>>, vector<1x1600x128xf32>,
    return
  }
  func.func @transform_0(%arg0: i32, %arg1: i32) -> (i32, i32, i32) {
    %min3A = arith.constant 124 : i32
    %min3A_0 = arith.minsi %arg1, %min3A : i32
    %c0_i32 = arith.constant 0 : i32
    %c0_i32_1 = arith.constant 0 : i32
    return %arg0, %min3A_0, %c0_i32 : i32, i32, i32
  }
  func.func @transform_1(%arg0: i32, %arg1: i32) -> (i32, i32) {
    %c0_i32 = arith.constant 0 : i32
    %c0_i32_0 = arith.constant 0 : i32
    %c0_i32_1 = arith.constant 0 : i32
    return %c0_i32, %c0_i32_0 : i32, i32
  }
  func.func @transform_2(%arg0: i32, %arg1: i32) -> (i32, i32) {
    %c0_i32 = arith.constant 0 : i32
    %c0_i32_0 = arith.constant 0 : i32
    %c0_i32_1 = arith.constant 0 : i32
    return %c0_i32, %c0_i32_0 : i32, i32
  }
  func.func @transform_3(%arg0: i32, %arg1: i32) -> (i32, i32) {
    %c0_i32 = arith.constant 0 : i32
    %c0_i32_0 = arith.constant 0 : i32
    %c0_i32_1 = arith.constant 0 : i32
    return %c0_i32, %c0_i32_0 : i32, i32
  }
  func.func @transform_4(%arg0: i32, %arg1: i32) -> (i32, i32) {
    %c0_i32 = arith.constant 0 : i32
    %c0_i32_0 = arith.constant 0 : i32
    %c0_i32_1 = arith.constant 0 : i32
    return %c0_i32, %c0_i32_0 : i32, i32
  }
  func.func @transform_5(%arg0: i32, %arg1: i32) -> (i32, i32) {
    %c0_i32 = arith.constant 0 : i32
    %c0_i32_0 = arith.constant 0 : i32
    %c0_i32_1 = arith.constant 0 : i32
    return %c0_i32, %c0_i32_0 : i32, i32
  }
  func.func @transform_6(%arg0: i32, %arg1: i32) -> (i32, i32) {
    %c0_i32 = arith.constant 0 : i32
    %c0_i32_0 = arith.constant 0 : i32
    %c0_i32_1 = arith.constant 0 : i32
    return %c0_i32, %c0_i32_0 : i32, i32
  }
  func.func @transform_7(%arg0: i32, %arg1: i32) -> (i32, i32) {
    %c0_i32 = arith.constant 0 : i32
    %c0_i32_0 = arith.constant 0 : i32
    %c0_i32_1 = arith.constant 0 : i32
    return %c0_i32, %c0_i32_0 : i32, i32
  }
  func.func @transform_8(%arg0: i32, %arg1: i32) -> (i32, i32, i32) {
    %min3A = arith.constant 124 : i32
    %min3A_0 = arith.minsi %arg1, %min3A : i32
    %c0_i32 = arith.constant 0 : i32
    %c0_i32_1 = arith.constant 0 : i32
    return %arg0, %min3A_0, %c0_i32 : i32, i32, i32
  }
  func.func @transform_9(%arg0: i32, %arg1: i32) -> (i32, i32, i32) {
    %min3A = arith.constant 124 : i32
    %min3A_0 = arith.minsi %arg1, %min3A : i32
    %c0_i32 = arith.constant 0 : i32
    %c0_i32_1 = arith.constant 0 : i32
    return %arg0, %min3A_0, %c0_i32 : i32, i32, i32
  }
  func.func @transform_10(%arg0: i32, %arg1: i32) -> (i32, i32, i32) {
    %c0_i32 = arith.constant 0 : i32
    %c0_i32_0 = arith.constant 0 : i32
    return %arg0, %arg1, %c0_i32 : i32, i32, i32
  }
}

module attributes {stable_mosaic.version = 14 : i64} {
  func.func @_k4_body(%arg0: i32, %arg1: i32, %arg2: memref<1x1600x128xf32, #tpu.memory_space<vmem>>, %arg3: memref<1600x128xf32, #tpu.memory_space<vmem>>, %arg4: memref<1x80x128xf32, #tpu.memory_space<vmem>>, %arg5: memref<1x80x128xf32, #tpu.memory_space<vmem>>) attributes {dimension_semantics = [#tpu.dimension_semantics<arbitrary>, #tpu.dimension_semantics<arbitrary>], iteration_bounds = array<i64: 2, 125>, scalar_prefetch = 0 : i64, scratch_operands = 0 : i64, tpu.core_type = #tpu.core_type<tc>, window_params = [{transform_indices = @transform_0, window_bounds = array<i64: 1, 1600, 128>}, {transform_indices = @transform_1, window_bounds = array<i64: 1600, 128>}, {transform_indices = @transform_2, window_bounds = array<i64: 1, 80, 128>}, {transform_indices = @transform_3, window_bounds = array<i64: 1, 80, 128>}]} {
    %get3A = arith.constant 0 : index
    %get3A_0 = arith.constant 0 : index
    %get3A_1 = arith.constant 0 : index
    %get3A_2 = vector.load %arg2[%get3A, %get3A_0, %get3A_1] : memref<1x1600x128xf32, #tpu.memory_space<vmem>>, vector<1x1600x128xf32>
    %get3A_3 = vector.shape_cast %get3A_2 : vector<1x1600x128xf32> to vector<1600x128xf32>
    %get3A_4 = arith.constant 0 : index
    %get3A_5 = arith.constant 0 : index
    %get3A_6 = vector.load %arg3[%get3A_4, %get3A_5] : memref<1600x128xf32, #tpu.memory_space<vmem>>, vector<1600x128xf32>
    %mul3A = arith.mulf %get3A_3, %get3A_6 : vector<1600x128xf32>
    %reshape3A = vector.shape_cast %mul3A : vector<1600x128xf32> to vector<80x20x128xf32>
    %reduce_sum3A = arith.constant dense<0.000000e+00> : vector<80x128xf32>
    %reduce_sum3A_7 = vector.multi_reduction <add>, %reshape3A, %reduce_sum3A [1] : vector<80x20x128xf32> to vector<80x128xf32>
    %get3A_8 = arith.constant 0 : index
    %get3A_9 = arith.constant 0 : index
    %get3A_10 = arith.constant 0 : index
    %get3A_11 = vector.load %arg4[%get3A_8, %get3A_9, %get3A_10] : memref<1x80x128xf32, #tpu.memory_space<vmem>>, vector<1x80x128xf32>
    %get3A_12 = vector.shape_cast %get3A_11 : vector<1x80x128xf32> to vector<80x128xf32>
    %add3A = arith.addf %get3A_12, %reduce_sum3A_7 : vector<80x128xf32>
    %swap3A = arith.constant 0 : index
    %swap3A_13 = arith.constant 0 : index
    %swap3A_14 = arith.constant 0 : index
    %swap3A_15 = vector.load %arg5[%swap3A, %swap3A_13, %swap3A_14] : memref<1x80x128xf32, #tpu.memory_space<vmem>>, vector<1x80x128xf32>
    %swap3A_16 = vector.shape_cast %swap3A_15 : vector<1x80x128xf32> to vector<80x128xf32>
    %swap3A_17 = vector.shape_cast %add3A : vector<80x128xf32> to vector<1x80x128xf32>
    tpu.vector_store %arg5[%swap3A, %swap3A_13, %swap3A_14], %swap3A_17 {strides = array<i32>} : memref<1x80x128xf32, #tpu.memory_space<vmem>>, vector<1x80x128xf32>,
    return
  }
  func.func @transform_0(%arg0: i32, %arg1: i32) -> (i32, i32, i32) {
    %c0_i32 = arith.constant 0 : i32
    %c0_i32_0 = arith.constant 0 : i32
    return %arg0, %arg1, %c0_i32 : i32, i32, i32
  }
  func.func @transform_1(%arg0: i32, %arg1: i32) -> (i32, i32) {
    %mul3A = arith.constant 125 : i32
    %mul3A_0 = arith.muli %arg0, %mul3A : i32
    %add3A = arith.addi %mul3A_0, %arg1 : i32
    %c0_i32 = arith.constant 0 : i32
    %c0_i32_1 = arith.constant 0 : i32
    return %add3A, %c0_i32 : i32, i32
  }
  func.func @transform_2(%arg0: i32, %arg1: i32) -> (i32, i32, i32) {
    %c0_i32 = arith.constant 0 : i32
    %c0_i32_0 = arith.constant 0 : i32
    return %arg0, %arg1, %c0_i32 : i32, i32, i32
  }
  func.func @transform_3(%arg0: i32, %arg1: i32) -> (i32, i32, i32) {
    %c0_i32 = arith.constant 0 : i32
    %c0_i32_0 = arith.constant 0 : i32
    return %arg0, %arg1, %c0_i32 : i32, i32, i32
  }
}

module attributes {stable_mosaic.version = 14 : i64} {
  func.func @_stats_body(%arg0: i32, %arg1: i32, %arg2: memref<1x80x128xf32, #tpu.memory_space<vmem>>, %arg3: memref<8x128xf32, #tpu.memory_space<vmem>>) attributes {dimension_semantics = [#tpu.dimension_semantics<arbitrary>, #tpu.dimension_semantics<arbitrary>], iteration_bounds = array<i64: 2, 125>, scalar_prefetch = 0 : i64, scratch_operands = 0 : i64, tpu.core_type = #tpu.core_type<tc>, window_params = [{transform_indices = @transform_0, window_bounds = array<i64: 1, 80, 128>}, {pipeline_mode = #tpu.pipeline_mode<synchronous>, transform_indices = @transform_1, window_bounds = array<i64: 8, 128>}]} {
    %eq3A = arith.constant 0 : i32
    %eq3A_0 = arith.cmpi eq, %arg0, %eq3A : i32
    %eq3A_1 = arith.constant 0 : i32
    %eq3A_2 = arith.cmpi eq, %arg1, %eq3A_1 : i32
    %and3A = arith.andi %eq3A_0, %eq3A_2 : i1
    %convert_element_type3A = arith.extui %and3A : i1 to i32
    %cond3A = arith.constant 0 : i32
    %cond3A_3 = arith.cmpi ne, %convert_element_type3A, %cond3A : i32
    scf.if %cond3A_3 {
      %broadcast_in_dim3A_19 = arith.constant 0.000000e+00 : f32
      %broadcast_in_dim3A_20 = vector.broadcast %broadcast_in_dim3A_19 : f32 to vector<8x128xf32>
      %swap3A_21 = arith.constant 0 : index
      %swap3A_22 = arith.constant 0 : index
      %swap3A_23 = vector.load %arg3[%swap3A_21, %swap3A_22] : memref<8x128xf32, #tpu.memory_space<vmem>>, vector<8x128xf32>
      tpu.vector_store %arg3[%swap3A_21, %swap3A_22], %broadcast_in_dim3A_20 {strides = array<i32>} : memref<8x128xf32, #tpu.memory_space<vmem>>, vector<8x128xf32>,
    } else {
    }
    %get3A = arith.constant 0 : index
    %get3A_4 = arith.constant 0 : index
    %get3A_5 = arith.constant 0 : index
    %get3A_6 = vector.load %arg2[%get3A, %get3A_4, %get3A_5] : memref<1x80x128xf32, #tpu.memory_space<vmem>>, vector<1x80x128xf32>
    %get3A_7 = vector.shape_cast %get3A_6 : vector<1x80x128xf32> to vector<80x128xf32>
    %reduce_sum3A = arith.constant dense<0.000000e+00> : vector<128xf32>
    %reduce_sum3A_8 = vector.multi_reduction <add>, %get3A_7, %reduce_sum3A [0] : vector<80x128xf32> to vector<128xf32>
    %broadcast_in_dim3A = vector.shape_cast %reduce_sum3A_8 : vector<128xf32> to vector<1x128xf32>
    %mul3A = arith.mulf %get3A_7, %get3A_7 : vector<80x128xf32>
    %reduce_sum3A_9 = arith.constant dense<0.000000e+00> : vector<128xf32>
    %reduce_sum3A_10 = vector.multi_reduction <add>, %mul3A, %reduce_sum3A_9 [0] : vector<80x128xf32> to vector<128xf32>
    %broadcast_in_dim3A_11 = vector.shape_cast %reduce_sum3A_10 : vector<128xf32> to vector<1x128xf32>
    %get3A_12 = arith.constant 0 : index
    %get3A_13 = arith.constant 0 : index
    %get3A_14 = vector.load %arg3[%get3A_12, %get3A_13] : memref<8x128xf32, #tpu.memory_space<vmem>>, vector<8x128xf32>
    %broadcast_in_dim3A_15 = arith.constant 0.000000e+00 : f32
    %broadcast_in_dim3A_16 = vector.broadcast %broadcast_in_dim3A_15 : f32 to vector<6x128xf32>
    %concatenate3A = tpu.concatenate %broadcast_in_dim3A, %broadcast_in_dim3A_11, %broadcast_in_dim3A_16 in 0 : vector<1x128xf32>, vector<1x128xf32>, vector<6x128xf32> -> vector<8x128xf32>
    %add3A = arith.addf %get3A_14, %concatenate3A : vector<8x128xf32>
    %swap3A = arith.constant 0 : index
    %swap3A_17 = arith.constant 0 : index
    %swap3A_18 = vector.load %arg3[%swap3A, %swap3A_17] : memref<8x128xf32, #tpu.memory_space<vmem>>, vector<8x128xf32>
    tpu.vector_store %arg3[%swap3A, %swap3A_17], %add3A {strides = array<i32>} : memref<8x128xf32, #tpu.memory_space<vmem>>, vector<8x128xf32>,
    return
  }
  func.func @transform_0(%arg0: i32, %arg1: i32) -> (i32, i32, i32) {
    %c0_i32 = arith.constant 0 : i32
    %c0_i32_0 = arith.constant 0 : i32
    return %arg0, %arg1, %c0_i32 : i32, i32, i32
  }
  func.func @transform_1(%arg0: i32, %arg1: i32) -> (i32, i32) {
    %c0_i32 = arith.constant 0 : i32
    %c0_i32_0 = arith.constant 0 : i32
    %c0_i32_1 = arith.constant 0 : i32
    return %c0_i32, %c0_i32_0 : i32, i32
  }
}

module attributes {stable_mosaic.version = 14 : i64} {
  func.func @_k5b_body(%arg0: i32, %arg1: i32, %arg2: memref<1x80x128xf32, #tpu.memory_space<vmem>>, %arg3: memref<1x80x128xf32, #tpu.memory_space<vmem>>, %arg4: memref<8x128xf32, #tpu.memory_space<vmem>>, %arg5: memref<1x128xf32, #tpu.memory_space<vmem>>, %arg6: memref<1x128xf32, #tpu.memory_space<vmem>>, %arg7: memref<128x128xf32, #tpu.memory_space<vmem>>, %arg8: memref<1x128xf32, #tpu.memory_space<vmem>>, %arg9: memref<128x128xf32, #tpu.memory_space<vmem>>, %arg10: memref<1x128xf32, #tpu.memory_space<vmem>>, %arg11: memref<1x80x128xf32, #tpu.memory_space<vmem>>, %arg12: memref<1x80x128xf32, #tpu.memory_space<vmem>>, %arg13: memref<1x80x128xf32, #tpu.memory_space<vmem>>) attributes {dimension_semantics = [#tpu.dimension_semantics<arbitrary>, #tpu.dimension_semantics<arbitrary>], iteration_bounds = array<i64: 2, 125>, scalar_prefetch = 0 : i64, scratch_operands = 0 : i64, tpu.core_type = #tpu.core_type<tc>, window_params = [{transform_indices = @transform_0, window_bounds = array<i64: 1, 80, 128>}, {transform_indices = @transform_1, window_bounds = array<i64: 1, 80, 128>}, {pipeline_mode = #tpu.pipeline_mode<synchronous>, transform_indices = @transform_2, window_bounds = array<i64: 8, 128>}, {pipeline_mode = #tpu.pipeline_mode<synchronous>, transform_indices = @transform_3, window_bounds = array<i64: 1, 128>}, {pipeline_mode = #tpu.pipeline_mode<synchronous>, transform_indices = @transform_4, window_bounds = array<i64: 1, 128>}, {pipeline_mode = #tpu.pipeline_mode<synchronous>, transform_indices = @transform_5, window_bounds = array<i64: 128, 128>}, {pipeline_mode = #tpu.pipeline_mode<synchronous>, transform_indices = @transform_6, window_bounds = array<i64: 1, 128>}, {pipeline_mode = #tpu.pipeline_mode<synchronous>, transform_indices = @transform_7, window_bounds = array<i64: 128, 128>}, {pipeline_mode = #tpu.pipeline_mode<synchronous>, transform_indices = @transform_8, window_bounds = array<i64: 1, 128>}, {transform_indices = @transform_9, window_bounds = array<i64: 1, 80, 128>}, {transform_indices = @transform_10, window_bounds = array<i64: 1, 80, 128>}, {transform_indices = @transform_11, window_bounds = array<i64: 1, 80, 128>}]} {
    %get3A = arith.constant 0 : index
    %get3A_0 = arith.constant 0 : index
    %get3A_1 = vector.load %arg4[%get3A, %get3A_0] : memref<8x128xf32, #tpu.memory_space<vmem>>, vector<1x128xf32>
    %div3A = arith.constant 2.000000e+04 : f32
    %div3A_2 = vector.broadcast %div3A : f32 to vector<1x128xf32>
    %div3A_3 = arith.divf %get3A_1, %div3A_2 : vector<1x128xf32>
    %get3A_4 = arith.constant 1 : index
    %get3A_5 = arith.constant 0 : index
    %get3A_6 = vector.load %arg4[%get3A_4, %get3A_5] : memref<8x128xf32, #tpu.memory_space<vmem>>, vector<1x128xf32>
    %div3A_7 = arith.constant 2.000000e+04 : f32
    %div3A_8 = vector.broadcast %div3A_7 : f32 to vector<1x128xf32>
    %div3A_9 = arith.divf %get3A_6, %div3A_8 : vector<1x128xf32>
    %mul3A = arith.mulf %div3A_3, %div3A_3 : vector<1x128xf32>
    %sub3A = arith.subf %div3A_9, %mul3A : vector<1x128xf32>
    %get3A_10 = arith.constant 0 : index
    %get3A_11 = arith.constant 0 : index
    %get3A_12 = arith.constant 0 : index
    %get3A_13 = vector.load %arg3[%get3A_10, %get3A_11, %get3A_12] : memref<1x80x128xf32, #tpu.memory_space<vmem>>, vector<1x80x128xf32>
    %get3A_14 = vector.shape_cast %get3A_13 : vector<1x80x128xf32> to vector<80x128xf32>
    %sub3A_15 = vector.broadcast %div3A_3 : vector<1x128xf32> to vector<80x128xf32>
    %sub3A_16 = arith.subf %get3A_14, %sub3A_15 : vector<80x128xf32>
    %add3A = arith.constant 9.99999974E-6 : f32
    %add3A_17 = vector.broadcast %add3A : f32 to vector<1x128xf32>
    %add3A_18 = arith.addf %sub3A, %add3A_17 : vector<1x128xf32>
    %rsqrt3A = math.rsqrt %add3A_18 : vector<1x128xf32>
    %mul3A_19 = vector.broadcast %rsqrt3A : vector<1x128xf32> to vector<80x128xf32>
    %mul3A_20 = arith.mulf %sub3A_16, %mul3A_19 : vector<80x128xf32>
    %get3A_21 = arith.constant 0 : index
    %get3A_22 = arith.constant 0 : index
    %get3A_23 = vector.load %arg5[%get3A_21, %get3A_22] : memref<1x128xf32, #tpu.memory_space<vmem>>, vector<1x128xf32>
    %mul3A_24 = vector.broadcast %get3A_23 : vector<1x128xf32> to vector<80x128xf32>
    %mul3A_25 = arith.mulf %mul3A_20, %mul3A_24 : vector<80x128xf32>
    %get3A_26 = arith.constant 0 : index
    %get3A_27 = arith.constant 0 : index
    %get3A_28 = vector.load %arg6[%get3A_26, %get3A_27] : memref<1x128xf32, #tpu.memory_space<vmem>>, vector<1x128xf32>
    %add3A_29 = vector.broadcast %get3A_28 : vector<1x128xf32> to vector<80x128xf32>
    %add3A_30 = arith.addf %mul3A_25, %add3A_29 : vector<80x128xf32>
    %get3A_31 = arith.constant 0 : index
    %get3A_32 = arith.constant 0 : index
    %get3A_33 = arith.constant 0 : index
    %get3A_34 = vector.load %arg2[%get3A_31, %get3A_32, %get3A_33] : memref<1x80x128xf32, #tpu.memory_space<vmem>>, vector<1x80x128xf32>
    %get3A_35 = vector.shape_cast %get3A_34 : vector<1x80x128xf32> to vector<80x128xf32>
    %max3A = arith.constant 0.000000e+00 : f32
    %max3A_36 = vector.broadcast %max3A : f32 to vector<80x128xf32>
    %max3A_37 = arith.maximumf %add3A_30, %max3A_36 : vector<80x128xf32>
    %add3A_38 = arith.addf %get3A_35, %max3A_37 : vector<80x128xf32>
    %swap3A = arith.constant 0 : index
    %swap3A_39 = arith.constant 0 : index
    %swap3A_40 = arith.constant 0 : index
    %swap3A_41 = vector.load %arg11[%swap3A, %swap3A_39, %swap3A_40] : memref<1x80x128xf32, #tpu.memory_space<vmem>>, vector<1x80x128xf32>
    %swap3A_42 = vector.shape_cast %swap3A_41 : vector<1x80x128xf32> to vector<80x128xf32>
    %swap3A_43 = vector.shape_cast %add3A_38 : vector<80x128xf32> to vector<1x80x128xf32>
    tpu.vector_store %arg11[%swap3A, %swap3A_39, %swap3A_40], %swap3A_43 {strides = array<i32>} : memref<1x80x128xf32, #tpu.memory_space<vmem>>, vector<1x80x128xf32>,
    %get3A_44 = arith.constant 0 : index
    %get3A_45 = arith.constant 0 : index
    %get3A_46 = vector.load %arg7[%get3A_44, %get3A_45] : memref<128x128xf32, #tpu.memory_space<vmem>>, vector<128x128xf32>
    %dot_general3A = arith.constant dense<0.000000e+00> : vector<80x128xf32>
    %dot_general3A_47 = tpu.matmul %add3A_38, %get3A_46, %dot_general3A {dimension_numbers = #tpu.dot_dimension_numbers<[1], [1], [0], [0], [0, 0, 1, 0], [], []>, transpose_lhs_hint = false} : vector<80x128xf32>, vector<128x128xf32>, vector<80x128xf32> -> vector<80x128xf32>
    %get3A_48 = arith.constant 0 : index
    %get3A_49 = arith.constant 0 : index
    %get3A_50 = vector.load %arg8[%get3A_48, %get3A_49] : memref<1x128xf32, #tpu.memory_space<vmem>>, vector<1x128xf32>
    %add3A_51 = vector.broadcast %get3A_50 : vector<1x128xf32> to vector<80x128xf32>
    %add3A_52 = arith.addf %dot_general3A_47, %add3A_51 : vector<80x128xf32>
    %swap3A_53 = arith.constant 0 : index
    %swap3A_54 = arith.constant 0 : index
    %swap3A_55 = arith.constant 0 : index
    %swap3A_56 = vector.load %arg12[%swap3A_53, %swap3A_54, %swap3A_55] : memref<1x80x128xf32, #tpu.memory_space<vmem>>, vector<1x80x128xf32>
    %swap3A_57 = vector.shape_cast %swap3A_56 : vector<1x80x128xf32> to vector<80x128xf32>
    %swap3A_58 = vector.shape_cast %add3A_52 : vector<80x128xf32> to vector<1x80x128xf32>
    tpu.vector_store %arg12[%swap3A_53, %swap3A_54, %swap3A_55], %swap3A_58 {strides = array<i32>} : memref<1x80x128xf32, #tpu.memory_space<vmem>>, vector<1x80x128xf32>,
    %get3A_59 = arith.constant 0 : index
    %get3A_60 = arith.constant 0 : index
    %get3A_61 = vector.load %arg9[%get3A_59, %get3A_60] : memref<128x128xf32, #tpu.memory_space<vmem>>, vector<128x128xf32>
    %dot_general3A_62 = arith.constant dense<0.000000e+00> : vector<80x128xf32>
    %dot_general3A_63 = tpu.matmul %add3A_38, %get3A_61, %dot_general3A_62 {dimension_numbers = #tpu.dot_dimension_numbers<[1], [1], [0], [0], [0, 0, 1, 0], [], []>, transpose_lhs_hint = false} : vector<80x128xf32>, vector<128x128xf32>, vector<80x128xf32> -> vector<80x128xf32>
    %get3A_64 = arith.constant 0 : index
    %get3A_65 = arith.constant 0 : index
    %get3A_66 = vector.load %arg10[%get3A_64, %get3A_65] : memref<1x128xf32, #tpu.memory_space<vmem>>, vector<1x128xf32>
    %add3A_67 = vector.broadcast %get3A_66 : vector<1x128xf32> to vector<80x128xf32>
    %add3A_68 = arith.addf %dot_general3A_63, %add3A_67 : vector<80x128xf32>
    %swap3A_69 = arith.constant 0 : index
    %swap3A_70 = arith.constant 0 : index
    %swap3A_71 = arith.constant 0 : index
    %swap3A_72 = vector.load %arg13[%swap3A_69, %swap3A_70, %swap3A_71] : memref<1x80x128xf32, #tpu.memory_space<vmem>>, vector<1x80x128xf32>
    %swap3A_73 = vector.shape_cast %swap3A_72 : vector<1x80x128xf32> to vector<80x128xf32>
    %swap3A_74 = vector.shape_cast %add3A_68 : vector<80x128xf32> to vector<1x80x128xf32>
    tpu.vector_store %arg13[%swap3A_69, %swap3A_70, %swap3A_71], %swap3A_74 {strides = array<i32>} : memref<1x80x128xf32, #tpu.memory_space<vmem>>, vector<1x80x128xf32>,
    return
  }
  func.func @transform_0(%arg0: i32, %arg1: i32) -> (i32, i32, i32) {
    %c0_i32 = arith.constant 0 : i32
    %c0_i32_0 = arith.constant 0 : i32
    return %arg0, %arg1, %c0_i32 : i32, i32, i32
  }
  func.func @transform_1(%arg0: i32, %arg1: i32) -> (i32, i32, i32) {
    %c0_i32 = arith.constant 0 : i32
    %c0_i32_0 = arith.constant 0 : i32
    return %arg0, %arg1, %c0_i32 : i32, i32, i32
  }
  func.func @transform_2(%arg0: i32, %arg1: i32) -> (i32, i32) {
    %c0_i32 = arith.constant 0 : i32
    %c0_i32_0 = arith.constant 0 : i32
    %c0_i32_1 = arith.constant 0 : i32
    return %c0_i32, %c0_i32_0 : i32, i32
  }
  func.func @transform_3(%arg0: i32, %arg1: i32) -> (i32, i32) {
    %c0_i32 = arith.constant 0 : i32
    %c0_i32_0 = arith.constant 0 : i32
    %c0_i32_1 = arith.constant 0 : i32
    return %c0_i32, %c0_i32_0 : i32, i32
  }
  func.func @transform_4(%arg0: i32, %arg1: i32) -> (i32, i32) {
    %c0_i32 = arith.constant 0 : i32
    %c0_i32_0 = arith.constant 0 : i32
    %c0_i32_1 = arith.constant 0 : i32
    return %c0_i32, %c0_i32_0 : i32, i32
  }
  func.func @transform_5(%arg0: i32, %arg1: i32) -> (i32, i32) {
    %c0_i32 = arith.constant 0 : i32
    %c0_i32_0 = arith.constant 0 : i32
    %c0_i32_1 = arith.constant 0 : i32
    return %c0_i32, %c0_i32_0 : i32, i32
  }
  func.func @transform_6(%arg0: i32, %arg1: i32) -> (i32, i32) {
    %c0_i32 = arith.constant 0 : i32
    %c0_i32_0 = arith.constant 0 : i32
    %c0_i32_1 = arith.constant 0 : i32
    return %c0_i32, %c0_i32_0 : i32, i32
  }
  func.func @transform_7(%arg0: i32, %arg1: i32) -> (i32, i32) {
    %c0_i32 = arith.constant 0 : i32
    %c0_i32_0 = arith.constant 0 : i32
    %c0_i32_1 = arith.constant 0 : i32
    return %c0_i32, %c0_i32_0 : i32, i32
  }
  func.func @transform_8(%arg0: i32, %arg1: i32) -> (i32, i32) {
    %c0_i32 = arith.constant 0 : i32
    %c0_i32_0 = arith.constant 0 : i32
    %c0_i32_1 = arith.constant 0 : i32
    return %c0_i32, %c0_i32_0 : i32, i32
  }
  func.func @transform_9(%arg0: i32, %arg1: i32) -> (i32, i32, i32) {
    %c0_i32 = arith.constant 0 : i32
    %c0_i32_0 = arith.constant 0 : i32
    return %arg0, %arg1, %c0_i32 : i32, i32, i32
  }
  func.func @transform_10(%arg0: i32, %arg1: i32) -> (i32, i32, i32) {
    %c0_i32 = arith.constant 0 : i32
    %c0_i32_0 = arith.constant 0 : i32
    return %arg0, %arg1, %c0_i32 : i32, i32, i32
  }
  func.func @transform_11(%arg0: i32, %arg1: i32) -> (i32, i32, i32) {
    %c0_i32 = arith.constant 0 : i32
    %c0_i32_0 = arith.constant 0 : i32
    return %arg0, %arg1, %c0_i32 : i32, i32, i32
  }
}

module attributes {stable_mosaic.version = 14 : i64} {
  func.func @_k7_body(%arg0: i32, %arg1: i32, %arg2: memref<1x1600x128xf32, #tpu.memory_space<vmem>>, %arg3: memref<1600x128xf32, #tpu.memory_space<vmem>>, %arg4: memref<1600x128xf32, #tpu.memory_space<vmem>>, %arg5: memref<1x80x128xf32, #tpu.memory_space<vmem>>, %arg6: memref<1x1600x128xf32, #tpu.memory_space<vmem>>, %arg7: memref<8x128xf32, #tpu.memory_space<vmem>>) attributes {dimension_semantics = [#tpu.dimension_semantics<arbitrary>, #tpu.dimension_semantics<arbitrary>], iteration_bounds = array<i64: 2, 125>, scalar_prefetch = 0 : i64, scratch_operands = 0 : i64, tpu.core_type = #tpu.core_type<tc>, window_params = [{transform_indices = @transform_0, window_bounds = array<i64: 1, 1600, 128>}, {transform_indices = @transform_1, window_bounds = array<i64: 1600, 128>}, {transform_indices = @transform_2, window_bounds = array<i64: 1600, 128>}, {transform_indices = @transform_3, window_bounds = array<i64: 1, 80, 128>}, {transform_indices = @transform_4, window_bounds = array<i64: 1, 1600, 128>}, {pipeline_mode = #tpu.pipeline_mode<synchronous>, transform_indices = @transform_5, window_bounds = array<i64: 8, 128>}]} {
    %eq3A = arith.constant 0 : i32
    %eq3A_0 = arith.cmpi eq, %arg0, %eq3A : i32
    %eq3A_1 = arith.constant 0 : i32
    %eq3A_2 = arith.cmpi eq, %arg1, %eq3A_1 : i32
    %and3A = arith.andi %eq3A_0, %eq3A_2 : i1
    %convert_element_type3A = arith.extui %and3A : i1 to i32
    %cond3A = arith.constant 0 : i32
    %cond3A_3 = arith.cmpi ne, %convert_element_type3A, %cond3A : i32
    scf.if %cond3A_3 {
      %broadcast_in_dim3A_42 = arith.constant 0.000000e+00 : f32
      %broadcast_in_dim3A_43 = vector.broadcast %broadcast_in_dim3A_42 : f32 to vector<8x128xf32>
      %swap3A_44 = arith.constant 0 : index
      %swap3A_45 = arith.constant 0 : index
      %swap3A_46 = vector.load %arg7[%swap3A_44, %swap3A_45] : memref<8x128xf32, #tpu.memory_space<vmem>>, vector<8x128xf32>
      tpu.vector_store %arg7[%swap3A_44, %swap3A_45], %broadcast_in_dim3A_43 {strides = array<i32>} : memref<8x128xf32, #tpu.memory_space<vmem>>, vector<8x128xf32>,
    } else {
    }
    %get3A = arith.constant 0 : index
    %get3A_4 = arith.constant 0 : index
    %get3A_5 = vector.load %arg3[%get3A, %get3A_4] : memref<1600x128xf32, #tpu.memory_space<vmem>>, vector<1600x128xf32>
    %reshape3A = vector.shape_cast %get3A_5 : vector<1600x128xf32> to vector<80x20x128xf32>
    %get3A_6 = arith.constant 0 : index
    %get3A_7 = arith.constant 0 : index
    %get3A_8 = arith.constant 0 : index
    %get3A_9 = vector.load %arg5[%get3A_6, %get3A_7, %get3A_8] : memref<1x80x128xf32, #tpu.memory_space<vmem>>, vector<1x80x128xf32>
    %get3A_10 = vector.shape_cast %get3A_9 : vector<1x80x128xf32> to vector<80x128xf32>
    %reshape3A_11 = vector.shape_cast %get3A_10 : vector<80x128xf32> to vector<80x1x128xf32>
    %add3A = vector.broadcast %reshape3A_11 : vector<80x1x128xf32> to vector<80x20x128xf32>
    %add3A_12 = arith.addf %reshape3A, %add3A : vector<80x20x128xf32>
    %get3A_13 = arith.constant 0 : index
    %get3A_14 = arith.constant 0 : index
    %get3A_15 = arith.constant 0 : index
    %get3A_16 = vector.load %arg2[%get3A_13, %get3A_14, %get3A_15] : memref<1x1600x128xf32, #tpu.memory_space<vmem>>, vector<1x1600x128xf32>
    %get3A_17 = vector.shape_cast %get3A_16 : vector<1x1600x128xf32> to vector<1600x128xf32>
    %reshape3A_18 = vector.shape_cast %add3A_12 : vector<80x20x128xf32> to vector<1600x128xf32>
    %add3A_19 = arith.addf %get3A_17, %reshape3A_18 : vector<1600x128xf32>
    %get3A_20 = arith.constant 0 : index
    %get3A_21 = arith.constant 0 : index
    %get3A_22 = vector.load %arg4[%get3A_20, %get3A_21] : memref<1600x128xf32, #tpu.memory_space<vmem>>, vector<1600x128xf32>
    %add3A_23 = arith.addf %add3A_19, %get3A_22 : vector<1600x128xf32>
    %swap3A = arith.constant 0 : index
    %swap3A_24 = arith.constant 0 : index
    %swap3A_25 = arith.constant 0 : index
    %swap3A_26 = vector.load %arg6[%swap3A, %swap3A_24, %swap3A_25] : memref<1x1600x128xf32, #tpu.memory_space<vmem>>, vector<1x1600x128xf32>
    %swap3A_27 = vector.shape_cast %swap3A_26 : vector<1x1600x128xf32> to vector<1600x128xf32>
    %swap3A_28 = vector.shape_cast %add3A_23 : vector<1600x128xf32> to vector<1x1600x128xf32>
    tpu.vector_store %arg6[%swap3A, %swap3A_24, %swap3A_25], %swap3A_28 {strides = array<i32>} : memref<1x1600x128xf32, #tpu.memory_space<vmem>>, vector<1x1600x128xf32>,
    %reduce_sum3A = arith.constant dense<0.000000e+00> : vector<128xf32>
    %reduce_sum3A_29 = vector.multi_reduction <add>, %add3A_23, %reduce_sum3A [0] : vector<1600x128xf32> to vector<128xf32>
    %broadcast_in_dim3A = vector.shape_cast %reduce_sum3A_29 : vector<128xf32> to vector<1x128xf32>
    %mul3A = arith.mulf %add3A_23, %add3A_23 : vector<1600x128xf32>
    %reduce_sum3A_30 = arith.constant dense<0.000000e+00> : vector<128xf32>
    %reduce_sum3A_31 = vector.multi_reduction <add>, %mul3A, %reduce_sum3A_30 [0] : vector<1600x128xf32> to vector<128xf32>
    %broadcast_in_dim3A_32 = vector.shape_cast %reduce_sum3A_31 : vector<128xf32> to vector<1x128xf32>
    %get3A_33 = arith.constant 0 : index
    %get3A_34 = arith.constant 0 : index
    %get3A_35 = vector.load %arg7[%get3A_33, %get3A_34] : memref<8x128xf32, #tpu.memory_space<vmem>>, vector<8x128xf32>
    %broadcast_in_dim3A_36 = arith.constant 0.000000e+00 : f32
    %broadcast_in_dim3A_37 = vector.broadcast %broadcast_in_dim3A_36 : f32 to vector<6x128xf32>
    %concatenate3A = tpu.concatenate %broadcast_in_dim3A, %broadcast_in_dim3A_32, %broadcast_in_dim3A_37 in 0 : vector<1x128xf32>, vector<1x128xf32>, vector<6x128xf32> -> vector<8x128xf32>
    %add3A_38 = arith.addf %get3A_35, %concatenate3A : vector<8x128xf32>
    %swap3A_39 = arith.constant 0 : index
    %swap3A_40 = arith.constant 0 : index
    %swap3A_41 = vector.load %arg7[%swap3A_39, %swap3A_40] : memref<8x128xf32, #tpu.memory_space<vmem>>, vector<8x128xf32>
    tpu.vector_store %arg7[%swap3A_39, %swap3A_40], %add3A_38 {strides = array<i32>} : memref<8x128xf32, #tpu.memory_space<vmem>>, vector<8x128xf32>,
    return
  }
  func.func @transform_0(%arg0: i32, %arg1: i32) -> (i32, i32, i32) {
    %c0_i32 = arith.constant 0 : i32
    %c0_i32_0 = arith.constant 0 : i32
    return %arg0, %arg1, %c0_i32 : i32, i32, i32
  }
  func.func @transform_1(%arg0: i32, %arg1: i32) -> (i32, i32) {
    %mul3A = arith.constant 125 : i32
    %mul3A_0 = arith.muli %arg0, %mul3A : i32
    %add3A = arith.addi %mul3A_0, %arg1 : i32
    %c0_i32 = arith.constant 0 : i32
    %c0_i32_1 = arith.constant 0 : i32
    return %add3A, %c0_i32 : i32, i32
  }
  func.func @transform_2(%arg0: i32, %arg1: i32) -> (i32, i32) {
    %mul3A = arith.constant 125 : i32
    %mul3A_0 = arith.muli %arg0, %mul3A : i32
    %add3A = arith.addi %mul3A_0, %arg1 : i32
    %c0_i32 = arith.constant 0 : i32
    %c0_i32_1 = arith.constant 0 : i32
    return %add3A, %c0_i32 : i32, i32
  }
  func.func @transform_3(%arg0: i32, %arg1: i32) -> (i32, i32, i32) {
    %c0_i32 = arith.constant 0 : i32
    %c0_i32_0 = arith.constant 0 : i32
    return %arg0, %arg1, %c0_i32 : i32, i32, i32
  }
  func.func @transform_4(%arg0: i32, %arg1: i32) -> (i32, i32, i32) {
    %c0_i32 = arith.constant 0 : i32
    %c0_i32_0 = arith.constant 0 : i32
    return %arg0, %arg1, %c0_i32 : i32, i32, i32
  }
  func.func @transform_5(%arg0: i32, %arg1: i32) -> (i32, i32) {
    %c0_i32 = arith.constant 0 : i32
    %c0_i32_0 = arith.constant 0 : i32
    %c0_i32_1 = arith.constant 0 : i32
    return %c0_i32, %c0_i32_0 : i32, i32
  }
}

module attributes {stable_mosaic.version = 14 : i64} {
  func.func @_k8_body(%arg0: i32, %arg1: i32, %arg2: memref<1x1600x128xf32, #tpu.memory_space<vmem>>, %arg3: memref<1x1600x128xf32, #tpu.memory_space<vmem>>, %arg4: memref<8x128xf32, #tpu.memory_space<vmem>>, %arg5: memref<1x128xf32, #tpu.memory_space<vmem>>, %arg6: memref<1x128xf32, #tpu.memory_space<vmem>>, %arg7: memref<1x1600x128xf32, #tpu.memory_space<vmem>>) attributes {dimension_semantics = [#tpu.dimension_semantics<arbitrary>, #tpu.dimension_semantics<arbitrary>], iteration_bounds = array<i64: 2, 125>, scalar_prefetch = 0 : i64, scratch_operands = 0 : i64, tpu.core_type = #tpu.core_type<tc>, window_params = [{transform_indices = @transform_0, window_bounds = array<i64: 1, 1600, 128>}, {transform_indices = @transform_1, window_bounds = array<i64: 1, 1600, 128>}, {pipeline_mode = #tpu.pipeline_mode<synchronous>, transform_indices = @transform_2, window_bounds = array<i64: 8, 128>}, {pipeline_mode = #tpu.pipeline_mode<synchronous>, transform_indices = @transform_3, window_bounds = array<i64: 1, 128>}, {pipeline_mode = #tpu.pipeline_mode<synchronous>, transform_indices = @transform_4, window_bounds = array<i64: 1, 128>}, {transform_indices = @transform_5, window_bounds = array<i64: 1, 1600, 128>}]} {
    %get3A = arith.constant 0 : index
    %get3A_0 = arith.constant 0 : index
    %get3A_1 = vector.load %arg4[%get3A, %get3A_0] : memref<8x128xf32, #tpu.memory_space<vmem>>, vector<1x128xf32>
    %div3A = arith.constant 4.000000e+05 : f32
    %div3A_2 = vector.broadcast %div3A : f32 to vector<1x128xf32>
    %div3A_3 = arith.divf %get3A_1, %div3A_2 : vector<1x128xf32>
    %get3A_4 = arith.constant 1 : index
    %get3A_5 = arith.constant 0 : index
    %get3A_6 = vector.load %arg4[%get3A_4, %get3A_5] : memref<8x128xf32, #tpu.memory_space<vmem>>, vector<1x128xf32>
    %div3A_7 = arith.constant 4.000000e+05 : f32
    %div3A_8 = vector.broadcast %div3A_7 : f32 to vector<1x128xf32>
    %div3A_9 = arith.divf %get3A_6, %div3A_8 : vector<1x128xf32>
    %mul3A = arith.mulf %div3A_3, %div3A_3 : vector<1x128xf32>
    %sub3A = arith.subf %div3A_9, %mul3A : vector<1x128xf32>
    %get3A_10 = arith.constant 0 : index
    %get3A_11 = arith.constant 0 : index
    %get3A_12 = arith.constant 0 : index
    %get3A_13 = vector.load %arg3[%get3A_10, %get3A_11, %get3A_12] : memref<1x1600x128xf32, #tpu.memory_space<vmem>>, vector<1x1600x128xf32>
    %get3A_14 = vector.shape_cast %get3A_13 : vector<1x1600x128xf32> to vector<1600x128xf32>
    %sub3A_15 = vector.broadcast %div3A_3 : vector<1x128xf32> to vector<1600x128xf32>
    %sub3A_16 = arith.subf %get3A_14, %sub3A_15 : vector<1600x128xf32>
    %add3A = arith.constant 9.99999974E-6 : f32
    %add3A_17 = vector.broadcast %add3A : f32 to vector<1x128xf32>
    %add3A_18 = arith.addf %sub3A, %add3A_17 : vector<1x128xf32>
    %rsqrt3A = math.rsqrt %add3A_18 : vector<1x128xf32>
    %mul3A_19 = vector.broadcast %rsqrt3A : vector<1x128xf32> to vector<1600x128xf32>
    %mul3A_20 = arith.mulf %sub3A_16, %mul3A_19 : vector<1600x128xf32>
    %get3A_21 = arith.constant 0 : index
    %get3A_22 = arith.constant 0 : index
    %get3A_23 = vector.load %arg5[%get3A_21, %get3A_22] : memref<1x128xf32, #tpu.memory_space<vmem>>, vector<1x128xf32>
    %mul3A_24 = vector.broadcast %get3A_23 : vector<1x128xf32> to vector<1600x128xf32>
    %mul3A_25 = arith.mulf %mul3A_20, %mul3A_24 : vector<1600x128xf32>
    %get3A_26 = arith.constant 0 : index
    %get3A_27 = arith.constant 0 : index
    %get3A_28 = vector.load %arg6[%get3A_26, %get3A_27] : memref<1x128xf32, #tpu.memory_space<vmem>>, vector<1x128xf32>
    %add3A_29 = vector.broadcast %get3A_28 : vector<1x128xf32> to vector<1600x128xf32>
    %add3A_30 = arith.addf %mul3A_25, %add3A_29 : vector<1600x128xf32>
    %get3A_31 = arith.constant 0 : index
    %get3A_32 = arith.constant 0 : index
    %get3A_33 = arith.constant 0 : index
    %get3A_34 = vector.load %arg2[%get3A_31, %get3A_32, %get3A_33] : memref<1x1600x128xf32, #tpu.memory_space<vmem>>, vector<1x1600x128xf32>
    %get3A_35 = vector.shape_cast %get3A_34 : vector<1x1600x128xf32> to vector<1600x128xf32>
    %max3A = arith.constant 0.000000e+00 : f32
    %max3A_36 = vector.broadcast %max3A : f32 to vector<1600x128xf32>
    %max3A_37 = arith.maximumf %add3A_30, %max3A_36 : vector<1600x128xf32>
    %add3A_38 = arith.addf %get3A_35, %max3A_37 : vector<1600x128xf32>
    %swap3A = arith.constant 0 : index
    %swap3A_39 = arith.constant 0 : index
    %swap3A_40 = arith.constant 0 : index
    %swap3A_41 = vector.load %arg7[%swap3A, %swap3A_39, %swap3A_40] : memref<1x1600x128xf32, #tpu.memory_space<vmem>>, vector<1x1600x128xf32>
    %swap3A_42 = vector.shape_cast %swap3A_41 : vector<1x1600x128xf32> to vector<1600x128xf32>
    %swap3A_43 = vector.shape_cast %add3A_38 : vector<1600x128xf32> to vector<1x1600x128xf32>
    tpu.vector_store %arg7[%swap3A, %swap3A_39, %swap3A_40], %swap3A_43 {strides = array<i32>} : memref<1x1600x128xf32, #tpu.memory_space<vmem>>, vector<1x1600x128xf32>,
    return
  }
  func.func @transform_0(%arg0: i32, %arg1: i32) -> (i32, i32, i32) {
    %c0_i32 = arith.constant 0 : i32
    %c0_i32_0 = arith.constant 0 : i32
    return %arg0, %arg1, %c0_i32 : i32, i32, i32
  }
  func.func @transform_1(%arg0: i32, %arg1: i32) -> (i32, i32, i32) {
    %c0_i32 = arith.constant 0 : i32
    %c0_i32_0 = arith.constant 0 : i32
    return %arg0, %arg1, %c0_i32 : i32, i32, i32
  }
  func.func @transform_2(%arg0: i32, %arg1: i32) -> (i32, i32) {
    %c0_i32 = arith.constant 0 : i32
    %c0_i32_0 = arith.constant 0 : i32
    %c0_i32_1 = arith.constant 0 : i32
    return %c0_i32, %c0_i32_0 : i32, i32
  }
  func.func @transform_3(%arg0: i32, %arg1: i32) -> (i32, i32) {
    %c0_i32 = arith.constant 0 : i32
    %c0_i32_0 = arith.constant 0 : i32
    %c0_i32_1 = arith.constant 0 : i32
    return %c0_i32, %c0_i32_0 : i32, i32
  }
  func.func @transform_4(%arg0: i32, %arg1: i32) -> (i32, i32) {
    %c0_i32 = arith.constant 0 : i32
    %c0_i32_0 = arith.constant 0 : i32
    %c0_i32_1 = arith.constant 0 : i32
    return %c0_i32, %c0_i32_0 : i32, i32
  }
  func.func @transform_5(%arg0: i32, %arg1: i32) -> (i32, i32, i32) {
    %c0_i32 = arith.constant 0 : i32
    %c0_i32_0 = arith.constant 0 : i32
    return %arg0, %arg1, %c0_i32 : i32, i32, i32
  }
}

</mosaic_0001>

<sc_bundles>
// kernel: kernel.12.cloned.1.call-start
scs
__scs_entry_jumppad:
0x0: {  	(pc) =	sbr.rel $0x88, $3  }
0x1: {  	(tag) =	ssettag $0x0;
	lr =	simm.s32 $0x1  }
0x2: {  	[smem:$0x3F8A] =	sst lr;
	_ =	strace $0xD0000000  }
0x3: {  	_ = 	snop  }
0x4: {  	_ = 	snop  }
0x5: {  	_ = 	snop  }
0x6: {  	_ = 	snop  }
0x7: {  	_ = 	snop  }
__scs_overlays_trampoline_lowered:
0x8: {  	[smem:$0x3F99] =	sst s0  }
0x9: {  	[smem:$0x3F9A] =	sst s1  }
0xa: {  	[smem:$0x3F9B] =	sst s2  }
0xb: {  	[smem:$0x3F9C] =	sst s3  }
0xc: {  	[smem:$0x3F9D] =	sst s4  }
0xd: {  	[smem:$0x3F9E] =	sst s5  }
0xe: {  	[smem:$0x3F9F] =	sst s6  }
0xf: {  	[smem:$0x3FA0] =	sst s7  }
0x10: {  	[smem:$0x3FA1] =	sst s8  }
0x11: {  	[smem:$0x3FA2] =	sst s9;
	s0 =	simm.s32 @!p0 $0x0  }
0x12: {  	s1 =	sld [smem:$0x3F88];
	s0 =	simm.s32 @p0 $0x1  }
0x13: {  	[smem:$0x3FA3] =	sst s0;
	s0 =	simm.s32 @!p1 $0x0  }
0x14: {  	s2 =	sld [smem:$0x3F87];
	s0 =	simm.s32 @p1 $0x1  }
0x15: {  	[smem:$0x3FA4] =	sst s0;
	s0 =	simm.s32 @!p2 $0x0  }
0x16: {  	s3 =	sld [smem:$0x3FDB];
	s0 =	simm.s32 @p2 $0x1  }
0x17: {  	s4 =	simm.s32 $0x1BF5;
	[smem:$0x3FA6] =	sst s0  }
0x18: {  	s0 =	sld [smem:$0x3F89];
	_ =	swait.ge [sflag:s4], $0x0  }
0x19: {  	s7 =	sld [smem:$0x3F8A]  }
0x1a: {  	s8 =	sadd.s32 $0xFFFFE003, lr  }
0x1b: {  	s9 =	sadd.s32 $0xFFFFFEF7, lr;
	s5 =	simm.s32 $0xFFFFFFFF;
	p2 =	slt.u32 s8, $0xFFFFF086  }
0x1c: {  	p1 =	slt.u32 s9, $0xF7A;
	s5 =	simm.s32 @!p2 $0x0  }
0x1d: {  	s5 =	simm.s32 @p1 $0x1;
	p0 =	seq.s32 s7, s2  }
0x1e: {  	s7 =	smul.u32 @!p0 $0xF7A, s2;
	p2 =	seq.s32 @!p0 s5, $0x0  }
0x1f: {  	s9 =	smul.u32 $0xF7A, s1;
	s8 =	simm.s32 @!p0 $0x1BF5;
	p2 =	por !p2, p0  }
0x20: {  	[sflag:s8] =	ssyncset.s32 @!p0 $0xFFFFF086;
	s6 =	sadd.s32 @!p0 s3, s7;
	s7 =	simm.s32 @!p0 $0x108  }
0x21: {  	s3 =	sadd.s32 s3, s9;
	s6 =	sadd.s32 @!p0 $0x88, s6;
	s7 =	simm.s32 @p2 $0x1082  }
0x22: {  	[simem:s7], [sflag:s8] =	dma.local @!p0 [hbm:s6], $0xF7A  }
0x23: {  	s9 =	sor.u32 $0xD0000000, s2;
	s6 =	simm.s32 $0x108;
	_ =	swait.ge @!p0 [sflag:s8], $0x0  }
0x24: {  	s3 =	sadd.s32 $0x88, s3;
	s6 =	simm.s32 @!p1 $0x1082;
	[sflag:s4] =	ssyncset.s32 $0xFFFFF086  }
0x25: {  	[simem:s6], [sflag:s4] =	dma.local [hbm:s3], $0xF7A  }
0x26: {  	[smem:$0x3F8A] =	sst s1;
	(tag) =	ssettag s2;
	_ =	strace s9  }
0x27: {  	s1 =	sld [smem:$0x3F9A]  }
0x28: {  	s2 =	sld [smem:$0x3F9B]  }
0x29: {  	s4 =	sld [smem:$0x3F9D]  }
0x2a: {  	p0 =	seq.s32 s5, $0x0;
	s5 =	sld [smem:$0x3F9E]  }
0x2b: {  	s6 =	sld [smem:$0x3F9F]  }
0x2c: {  	s7 =	sld [smem:$0x3FA0]  }
0x2d: {  	s3 =	simm.s32 $0x108;
	s8 =	sld [smem:$0x3FA1]  }
0x2e: {  	s3 =	simm.s32 @!p0 $0x1082;
	s9 =	sld [smem:$0x3FA2]  }
0x2f: {  	lr =	sadd.s32 s0, s3;
	s0 =	sld [smem:$0x3F99]  }
0x30: {  	s3 =	sld [smem:$0x3F9C]  }
0x31: {  	[smem:$0x3FA5] =	sst s10  }
0x32: {  	s10 =	sld [smem:$0x3FA3];
	_ =	sdelay $0x3  }
0x33: {  	p0 =	seq.s32 s10, $0x1;
	s10 =	sld [smem:$0x3FA5];
	_ =	sdelay $0x3  }
0x34: {  	[smem:$0x3FA5] =	sst s10  }
0x35: {  	s10 =	sld [smem:$0x3FA4];
	_ =	sdelay $0x3  }
0x36: {  	p1 =	seq.s32 s10, $0x1;
	s10 =	sld [smem:$0x3FA5];
	_ =	sdelay $0x3  }
0x37: {  	[smem:$0x3FA5] =	sst s10  }
0x38: {  	s10 =	sld [smem:$0x3FA6]  }
0x39: {  	_ = 	snop;
	(pc) =	sbr.ind lr, $3  }
0x3a: {  	_ = 	snop  }
0x3b: {  	_ = 	snop  }
0x3c: {  	p2 =	seq.s32 s10, $0x1;
	s10 =	sld [smem:$0x3FA5]  }
0x3d: {  	_ =	shalt  }
0x3e: {  	_ =	shalt  }
0x3f: {  	_ =	shalt  }
0x40: {  	_ =	shalt  }
0x41: {  	_ =	shalt  }
0x42: {  	_ =	shalt  }
0x43: {  	_ =	shalt  }
0x44: {  	_ =	shalt  }
0x45: {  	_ =	shalt  }
0x46: {  	_ =	shalt  }
0x47: {  	_ =	shalt  }
0x48: {  	_ =	shalt  }
0x49: {  	_ =	shalt  }
0x4a: {  	_ =	shalt  }
0x4b: {  	_ =	shalt  }
0x4c: {  	_ =	shalt  }
0x4d: {  	_ =	shalt  }
0x4e: {  	_ =	shalt  }
0x4f: {  	_ =	shalt  }
0x50: {  	_ =	shalt  }
0x51: {  	_ =	shalt  }
0x52: {  	_ =	shalt  }
0x53: {  	_ =	shalt  }
0x54: {  	_ =	shalt  }
0x55: {  	_ =	shalt  }
0x56: {  	_ =	shalt  }
0x57: {  	_ =	shalt  }
0x58: {  	_ =	shalt  }
0x59: {  	_ =	shalt  }
0x5a: {  	_ =	shalt  }
0x5b: {  	_ =	shalt  }
0x5c: {  	_ =	shalt  }
0x5d: {  	_ =	shalt  }
0x5e: {  	_ =	shalt  }
0x5f: {  	_ =	shalt  }
0x60: {  	_ =	shalt  }
0x61: {  	_ =	shalt  }
0x62: {  	_ =	shalt  }
0x63: {  	_ =	shalt  }
0x64: {  	_ =	shalt  }
0x65: {  	_ =	shalt  }
0x66: {  	_ =	shalt  }
0x67: {  	_ =	shalt  }
0x68: {  	_ =	shalt  }
0x69: {  	_ =	shalt  }
0x6a: {  	_ =	shalt  }
0x6b: {  	_ =	shalt  }
0x6c: {  	_ =	shalt  }
0x6d: {  	_ =	shalt  }
0x6e: {  	_ =	shalt  }
0x6f: {  	_ =	shalt  }
0x70: {  	_ =	shalt  }
0x71: {  	_ =	shalt  }
0x72: {  	_ =	shalt  }
0x73: {  	_ =	shalt  }
0x74: {  	_ =	shalt  }
0x75: {  	_ =	shalt  }
0x76: {  	_ =	shalt  }
0x77: {  	_ =	shalt  }
0x78: {  	_ =	shalt  }
0x79: {  	_ =	shalt  }
0x7a: {  	_ =	shalt  }
0x7b: {  	_ =	shalt  }
0x7c: {  	_ =	shalt  }
0x7d: {  	_ =	shalt  }
0x7e: {  	_ =	shalt  }
0x7f: {  	_ =	shalt  }
0x80: {  	_ =	shalt  }
0x81: {  	_ =	shalt  }
0x82: {  	_ =	shalt  }
0x83: {  	_ =	shalt  }
0x84: {  	_ =	shalt  }
0x85: {  	_ =	shalt  }
0x86: {  	_ =	shalt  }
0x87: {  	_ =	shalt  }
.Lfunc_end0:
.L_simem_size_0:
called_computation_lowered:
.L_overlay_start_0:
0x88: {  	s2 =	sld [smem:$0x3FD9]  }
0x89: {  	s3 =	sld [smem:$0x3FFE];
	_ =	sdelay $0x1  }
0x8a: {  	s1 =	srdreg.scid  }
0x8b: {  	s0 =	sand.u32 $0x1, s1  }
0x8c: {  	s14 =	sshll.u32 s0, $0xA;
	s2 =	sadd.s32 s3, s2  }
0x8d: {  	s2 =	sadd.s32 s2, s14  }
0x8e: {  	[smem:$0x3FB1] =	sst s2  }
0x8f: {  	_ = 	snop  }
0x90: {  	s2 =	sld [smem:$0x3FD0];
	_ =	sdelay $0x2  }
0x91: {  	s15 =	simm.s32 $0xB;
	s4 =	simm.s32 $0x10  }
0x92: {  	[smem:s4], [sflag:s15] =	dma.local [hbm:s2], $0x1  }
0x93: {  	_ =	swait.eq [sflag:s15], $0x1  }
0x94: {  	[sflag:s15] =	ssyncset.done $0x0  }
0x95: {  	[sflag:s15] =	ssyncadd.s32 $0xFFFFFFFF  }
0x96: {  	s16 =	sld [smem:$0x10];
	(tm) =	ssettm $0x1  }
0x97: {  	s17 =	sld [smem:$0x3FFB];
	_ =	sdelay $0x3  }
0x98: {  	_ =	strace s17  }
0x99: {  	s3 =	sld [smem:$0x3FFC];
	_ =	sdelay $0x3  }
0x9a: {  	_ =	strace s3  }
0x9b: {  	s3 =	sld [smem:$0x3FFD];
	_ =	sdelay $0x3  }
0x9c: {  	_ =	strace s3  }
0x9d: {  	_ =	strace $0x8FFFFFFF  }
0x9e: {  	s18 =	sld [smem:$0x3FDB];
	_ =	sdelay $0x1  }
0x9f: {  	s19 =	simm.s32 $_scs_section_size  }
0xa0: {  	s5 =	simm.s32 $_size__tile_overlayer_lowered;
	s6 =	simm.s32 $_tile_overlayer_lowered  }
0xa1: {  	s22 =	simm.s32 $0x1BFF;
	s21 =	sshll.u32 s6, $0x1;
	s3 =	sadd.s32 s19, s18  }
0xa2: {  	s7 =	simm.s32 $0x0;
	s20 =	sshll.u32 s5, $0x1;
	s5 =	sadd.s32 s21, s3  }
0xa3: {  	[timem:s7], [sflag:s22] =	dma.local [hbm:s5], s20  }
0xa4: {  	_ =	swait.ge [sflag:s22], s20  }
0xa5: {  	s4 =	ssub.s32 $0x0, s20;
	[sflag:s22] =	ssyncset.done $0x0  }
0xa6: {  	[sflag:s22] =	ssyncadd.s32 s4;
	_ =	sdelay $0x1  }
0xa7: {  	s23 =	simm.s32 $0x1B8B  }
0xa8: {  	_ =	swait.ge [sflag:s23], $0x1  }
0xa9: {  	[sflag:s23] =	ssyncset.done $0x0  }
0xaa: {  	s25 =	simm.s32 $0x1B8E;
	s24 =	sld [smem:$0x3FFE];
	[sflag:s23] =	ssyncadd.s32 $0xFFFFFFFF  }
0xab: {  	s26 =	simm.s32 $execute0_lowered;
	[smem:$0x3FD2] =	sst s25  }
0xac: {  	s5 =	sshll.u32 s26, $0x1;
	_ =	strace $0x80000046;
	[dreg:$0x1] =	wrdreg $0xFFFFFFFF  }
0xad: {  	s28 =	simm.s32 $_size_execute0_lowered;
	s3 =	sadd.s32 s3, s5;
	[dreg:$0x0] =	wrdreg $0x0  }
0xae: {  	s5 =	sshll.u32 s28, $0x1;
	[dreg:$0x2] =	wrdreg s3  }
0xaf: {  	[dreg:$0x3] =	wrdreg s5  }
0xb0: {  	[dreg:$0x4] =	wrdreg $0xC0  }
0xb1: {  	_ =	task [dreg:s7], $0x5FFFF  }
0xb2: {  	[dreg:$0x1] =	wrdreg $0xFFFFFFFF  }
0xb3: {  	[dreg:$0x0] =	wrdreg $0x60  }
0xb4: {  	[dreg:$0x2] =	wrdreg s16  }
0xb5: {  	[dreg:$0x3] =	wrdreg s24  }
0xb6: {  	[dreg:$0x4] =	wrdreg $0xA  }
0xb7: {  	_ =	task.clear_ibuf [dreg:s7], $0x5FFFF;
	_ =	strace $0x90000046  }
0xb8: {  	s29 =	simm.s32 $0xA;
	_ =	strace $0x80000048  }
0xb9: {  	_ =	swait.ge [sflag:s29], $0x1  }
0xba: {  	[sflag:s29] =	ssyncadd.s32 $0xFFFFFFFF  }
0xbb: {  	_ =	strace $0x90000048  }
0xbc: {  	_ =	sfence  }
0xbd: {  	s30 =	sld [smem:$0x0];
	_ =	sdelay $0x2  }
0xbe: {  	s31 =	sshll.u32 s1, $0xD;
	s1 =	sshrl.u32 s1, $0x2  }
0xbf: {  	s3 =	sand.u32 $0x4000, s31;
	s1 =	sadd.s32 s1, s30  }
0xc0: {  	s0 =	sor.u32 s3, s0;
	s1 =	sshll.u32 s1, $0x11  }
0xc1: {  	s0 =	sor.u32 s1, s0  }
0xc2: {  	s0 =	sadd.s32 $0x8F2B, s0  }
0xc3: {  	[sflag:s0] =	ssyncadd.remote.s32 $0x1  }
0xc4: {  	_ =	sfence.sel $0xFFFF  }
0xc5: {  	[dreg:$0x0] =	wrdreg $0xFFFFFFFF;
	(pc) =	sbr.abs _section_cstart, $3  }
0xc6: {  	[dreg:$0x1] =	wrdreg $0xFFFFFFFF  }
0xc7: {  	_ =	task.clear_ibuf [dreg:s7], $0x2FFFF;
	_ =	strace $0x9FFFFFFF  }
0xc8: {  	(tm) =	ssettm $0x7FFFFFFF  }
0xc9: {  	_ =	shalt  }
tec
execute0_lowered:
.L_overlay_start_1:
0x0: {  	(tag) =	ssettag $0x1  }
0x1: {  	s1 =	rddreg [dreg:$0x0]  }
0x2: {  	s4 =	rddreg [dreg:$0x1]  }
0x3: {  	s0 =	rddreg [dreg:$0x2]  }
0x4: {  	s3 =	simm.s32 $0x0;
	s5 =	srdreg.scid;
	s2 =	stileid.u32  }
0x5: {  	[smem:$0x7FF] =	sst s3;
	s5 =	sand.u32 $0x1, s5;
	s6 =	sshll.u32 s2, $0x7  }
0x6: {  	s7 =	sshll.u32 s2, $0xE;
	_ =	strace $0x80000047;
	s8 =	ssub.s32 $0x2, s5  }
0x7: {  	s6 =	sadd.s32 s6, s4;
	s7 =	sadd.s32 s7, s4;
	s9 =	sshll.u32 s5, $0xD  }
0x8: {  	s5 =	sshll.u32 s5, $0x6;
	s4 =	sshll.u32 s2, $0x1;
	s30 =	sshrl.u32 s8, $0x1  }
0x9: {  	s7 =	sadd.s32 s9, s7;
	s31 =	sadd.s32 s5, s6;
	s8 =	ssub.s32 s8, s30  }
0xa: {  	s6 =	sadd.s32 $0x5F000, s7;
	s7 =	sadd.s32 $0x4A00, s31;
	s5 =	smax.u32 s8, $0x1  }
.LBB2_1:
0xb: {  	s8 =	sadd.s32 $0x0, s4  }
0xc: {  	p0 =	sgt.u32 s8, $0x30D  }
0xd: {  	s8 =	simm.s32 @!p0 $0x0;
	s9 =	simm.s32 @!p0 $0x3  }
0xe: {  	[tilespmem:s8], [sflag:$0x3] =	stream.linear.gather @!p0 [hbm4b:s7+s8], $0x200, $0x38;
	[tilespmem:$0x10200] =	vst v63  }
0xf: {  	_ =	swait.ge @!p0 [sflag:s9], $0x200  }
0x10: {  	[sflag:s9] =	ssyncset.done @!p0 $0x0;
	p0 =	por p0, p0  }
0x11: {  	[sflag:s9] =	ssyncadd.s32 @!p0 $0xFFFFFE00;
	s10 =	simm.s32 @!p0 $0x200;
	s11 =	simm.s32 @!p0 $0x1  }
0x12: {  	[tilespmem:s10], [sflag:$0x1] =	stream.indirect.gather @!p0 [hbm4b:s1+s10], $0x80, s8, s10, $0xb8;
	[tilespmem:$0x10200] =	vst v63  }
0x13: {  	_ =	swait.ge @!p0 [sflag:s11], $0x10000  }
0x14: {  	[sflag:s11] =	ssyncset.done @!p0 $0x0  }
0x15: {  	s31 =	sadd.s32 $0x20, s4;
	[sflag:s11] =	ssyncadd.s32 @!p0 $0xFFFF0000;
	s11 =	simm.s32 @!p0 $0x2  }
0x16: {  	[hbm4b:s6+s8] =	stream.linear.scatter @!p0 [tilespmem:s10], [sflag:$0x2], $0x10000, $0x38;
	[tilespmem:$0x10200] =	vst v63  }
0x17: {  	p1 =	sgt.u32 s31, $0x30D;
	s9 =	simm.s32 $0x40;
	_ =	swait.ge @!p0 [sflag:s11], $0x10000  }
0x18: {  	s10 =	sadd.s32 $0x800, s7;
	s8 =	sadd.s32 $0x40000, s6;
	[sflag:s11] =	ssyncset.done @!p0 $0x0  }
.LBB2_2:
0x19: {  	s12 =	simm.s32 @!p1 $0x0;
	s13 =	simm.s32 @!p1 $0x3;
	[sflag:s11] =	ssyncadd.s32 @!p0 $0xFFFF0000  }
0x1a: {  	[tilespmem:s12], [sflag:$0x3] =	stream.linear.gather @!p1 [hbm4b:s10+s12], $0x200, $0x38;
	[tilespmem:$0x10200] =	vst v63  }
0x1b: {  	s14 =	smov.u32 s9;
	s9 =	sadd.s32 $0x20, s9;
	_ =	swait.ge @!p1 [sflag:s13], $0x200  }
0x1c: {  	p0 =	por p1, p1;
	p2 =	sne.s32 s9, $0x320;
	[sflag:s13] =	ssyncset.done @!p1 $0x0  }
0x1d: {  	s11 =	simm.s32 @!p0 $0x1;
	[sflag:s13] =	ssyncadd.s32 @!p0 $0xFFFFFE00;
	s13 =	simm.s32 @!p0 $0x200  }
0x1e: {  	[tilespmem:s13], [sflag:$0x1] =	stream.indirect.gather @!p0 [hbm4b:s1+s13], $0x80, s12, s13, $0xb8;
	[tilespmem:$0x10200] =	vst v63  }
0x1f: {  	_ =	swait.ge @!p0 [sflag:s11], $0x10000  }
.Ltmp0:
0x20: {  	[sflag:s11] =	ssyncset.done @!p0 $0x0;
	(pc) =	sbr.rel @p2 .LBB2_2-.Ltmp0, $4  }
0x21: {  	[sflag:s11] =	ssyncadd.s32 @!p0 $0xFFFF0000;
	s11 =	simm.s32 @!p0 $0x2  }
0x22: {  	[hbm4b:s8+s12] =	stream.linear.scatter @!p0 [tilespmem:s13], [sflag:$0x2], $0x10000, $0x38;
	[tilespmem:$0x10200] =	vst v63  }
0x23: {  	s10 =	sadd.s32 $0x800, s10;
	s12 =	sadd.s32 s14, s4;
	_ =	swait.ge @!p0 [sflag:s11], $0x10000  }
0x24: {  	s8 =	sadd.s32 $0x40000, s8;
	p1 =	sgt.u32 s12, $0x30D;
	[sflag:s11] =	ssyncset.done @!p0 $0x0  }
0x25: {  	s9 =	simm.s32 @!p1 $0x0;
	s12 =	simm.s32 @!p1 $0x3;
	[sflag:s11] =	ssyncadd.s32 @!p0 $0xFFFF0000  }
0x26: {  	[tilespmem:s9], [sflag:$0x3] =	stream.linear.gather @!p1 [hbm4b:s10+s9], $0x200, $0x38;
	[tilespmem:$0x10200] =	vst v63  }
0x27: {  	_ =	swait.ge @!p1 [sflag:s12], $0x200  }
0x28: {  	p0 =	por p1, p1;
	[sflag:s12] =	ssyncset.done @!p1 $0x0  }
0x29: {  	s10 =	simm.s32 @!p0 $0x200;
	s11 =	simm.s32 @!p0 $0x1;
	[sflag:s12] =	ssyncadd.s32 @!p0 $0xFFFFFE00  }
0x2a: {  	[tilespmem:s10], [sflag:$0x1] =	stream.indirect.gather @!p0 [hbm4b:s1+s10], $0x80, s9, s10, $0xb8;
	[tilespmem:$0x10200] =	vst v63  }
0x2b: {  	s3 =	sadd.s32 $0x1, s3;
	_ =	swait.ge @!p0 [sflag:s11], $0x10000  }
0x2c: {  	p1 =	sne.s32 s3, s5;
	[sflag:s11] =	ssyncset.done @!p0 $0x0  }
.Ltmp1:
0x2d: {  	[sflag:s11] =	ssyncadd.s32 @!p0 $0xFFFF0000;
	s11 =	simm.s32 @!p0 $0x2;
	(pc) =	sbr.rel @p1 .LBB2_1-.Ltmp1, $4  }
0x2e: {  	[hbm4b:s8+s9] =	stream.linear.scatter @!p0 [tilespmem:s10], [sflag:$0x2], $0x10000, $0x38;
	[tilespmem:$0x10200] =	vst v63  }
0x2f: {  	_ =	swait.ge @!p0 [sflag:s11], $0x10000  }
0x30: {  	[sflag:s11] =	ssyncset.done @!p0 $0x0  }
0x31: {  	[sflag:s11] =	ssyncadd.s32 @!p0 $0xFFFF0000  }
0x32: {  	_ =	sfence.sel $0x180000  }
0x33: {  	[bflag:$0x0] =	sbarrier.arrive $0xFFFF  }
0x34: {  	p0 =	sne.s32 s2, $0x0;
	_ =	strace $0x90000047  }
0x35: {  	s0 =	sadd.s32 @!p0 $0x100000, s0;
	[bflag:$0x2] =	sbarrier.arrive $0xFFFF  }
0x36: {  	[sflag:s0] =	ssyncadd.tile.s32 @!p0 $0x1;
	_ =	shalt  }
.Lfunc_end2:
_tile_overlayer_lowered:
.L_overlay_start_2:
0x37: {  	(tag) =	ssettag $0x2  }
0x38: {  	s0 =	rddreg [dreg:$0x0];
	s2 =	stileid.u32  }
0x39: {  	s1 =	rddreg [dreg:$0x1];
	p0 =	sne.s32 s2, $0x0  }
0x3a: {  	s3 =	rddreg [dreg:$0x2];
	[bflag:$0x3] =	sbarrier.arrive $0xFFFF;
	s2 =	simm.s32 @!p0 $0x1C02  }
0x3b: {  	[timem:s3], [sflag:s2] =	dma.local @!p0 [hbm:s0], s1  }
0x3c: {  	s0 =	simm.s32 @!p0 $0x2  }
0x3d: {  	_ =	swait.ge @!p0 [sflag:s0], s1  }
0x3e: {  	s1 =	ssub.s32 @!p0 $0x0, s1;
	[sflag:s0] =	ssyncset.done @!p0 $0x0  }
0x3f: {  	[sflag:s0] =	ssyncadd.s32 @!p0 s1  }
0x40: {  	[bflag:$0x3] =	sbarrier.arrive $0xFFFF  }
0x41: {  	_ =	shalt  }

// kernel: kernel.15.cloned.1.call-start
scs
__scs_entry_jumppad:
0x0: {  	(pc) =	sbr.rel $0x88, $3  }
0x1: {  	(tag) =	ssettag $0x0;
	lr =	simm.s32 $0x1  }
0x2: {  	[smem:$0x3F8A] =	sst lr;
	_ =	strace $0xD0000000  }
0x3: {  	_ = 	snop  }
0x4: {  	_ = 	snop  }
0x5: {  	_ = 	snop  }
0x6: {  	_ = 	snop  }
0x7: {  	_ = 	snop  }
__scs_overlays_trampoline_lowered:
0x8: {  	[smem:$0x3F99] =	sst s0  }
0x9: {  	[smem:$0x3F9A] =	sst s1  }
0xa: {  	[smem:$0x3F9B] =	sst s2  }
0xb: {  	[smem:$0x3F9C] =	sst s3  }
0xc: {  	[smem:$0x3F9D] =	sst s4  }
0xd: {  	[smem:$0x3F9E] =	sst s5  }
0xe: {  	[smem:$0x3F9F] =	sst s6  }
0xf: {  	[smem:$0x3FA0] =	sst s7  }
0x10: {  	[smem:$0x3FA1] =	sst s8  }
0x11: {  	[smem:$0x3FA2] =	sst s9;
	s0 =	simm.s32 @!p0 $0x0  }
0x12: {  	s1 =	sld [smem:$0x3F88];
	s0 =	simm.s32 @p0 $0x1  }
0x13: {  	[smem:$0x3FA3] =	sst s0;
	s0 =	simm.s32 @!p1 $0x0  }
0x14: {  	s2 =	sld [smem:$0x3F87];
	s0 =	simm.s32 @p1 $0x1  }
0x15: {  	[smem:$0x3FA4] =	sst s0;
	s0 =	simm.s32 @!p2 $0x0  }
0x16: {  	s3 =	sld [smem:$0x3FDB];
	s0 =	simm.s32 @p2 $0x1  }
0x17: {  	s4 =	simm.s32 $0x1BF5;
	[smem:$0x3FA6] =	sst s0  }
0x18: {  	s0 =	sld [smem:$0x3F89];
	_ =	swait.ge [sflag:s4], $0x0  }
0x19: {  	s7 =	sld [smem:$0x3F8A]  }
0x1a: {  	s8 =	sadd.s32 $0xFFFFE003, lr  }
0x1b: {  	s9 =	sadd.s32 $0xFFFFFEF7, lr;
	s5 =	simm.s32 $0xFFFFFFFF;
	p2 =	slt.u32 s8, $0xFFFFF086  }
0x1c: {  	p1 =	slt.u32 s9, $0xF7A;
	s5 =	simm.s32 @!p2 $0x0  }
0x1d: {  	s5 =	simm.s32 @p1 $0x1;
	p0 =	seq.s32 s7, s2  }
0x1e: {  	s7 =	smul.u32 @!p0 $0xF7A, s2;
	p2 =	seq.s32 @!p0 s5, $0x0  }
0x1f: {  	s9 =	smul.u32 $0xF7A, s1;
	s8 =	simm.s32 @!p0 $0x1BF5;
	p2 =	por !p2, p0  }
0x20: {  	[sflag:s8] =	ssyncset.s32 @!p0 $0xFFFFF086;
	s6 =	sadd.s32 @!p0 s3, s7;
	s7 =	simm.s32 @!p0 $0x108  }
0x21: {  	s3 =	sadd.s32 s3, s9;
	s6 =	sadd.s32 @!p0 $0x88, s6;
	s7 =	simm.s32 @p2 $0x1082  }
0x22: {  	[simem:s7], [sflag:s8] =	dma.local @!p0 [hbm:s6], $0xF7A  }
0x23: {  	s9 =	sor.u32 $0xD0000000, s2;
	s6 =	simm.s32 $0x108;
	_ =	swait.ge @!p0 [sflag:s8], $0x0  }
0x24: {  	s3 =	sadd.s32 $0x88, s3;
	s6 =	simm.s32 @!p1 $0x1082;
	[sflag:s4] =	ssyncset.s32 $0xFFFFF086  }
0x25: {  	[simem:s6], [sflag:s4] =	dma.local [hbm:s3], $0xF7A  }
0x26: {  	[smem:$0x3F8A] =	sst s1;
	(tag) =	ssettag s2;
	_ =	strace s9  }
0x27: {  	s1 =	sld [smem:$0x3F9A]  }
0x28: {  	s2 =	sld [smem:$0x3F9B]  }
0x29: {  	s4 =	sld [smem:$0x3F9D]  }
0x2a: {  	p0 =	seq.s32 s5, $0x0;
	s5 =	sld [smem:$0x3F9E]  }
0x2b: {  	s6 =	sld [smem:$0x3F9F]  }
0x2c: {  	s7 =	sld [smem:$0x3FA0]  }
0x2d: {  	s3 =	simm.s32 $0x108;
	s8 =	sld [smem:$0x3FA1]  }
0x2e: {  	s3 =	simm.s32 @!p0 $0x1082;
	s9 =	sld [smem:$0x3FA2]  }
0x2f: {  	lr =	sadd.s32 s0, s3;
	s0 =	sld [smem:$0x3F99]  }
0x30: {  	s3 =	sld [smem:$0x3F9C]  }
0x31: {  	[smem:$0x3FA5] =	sst s10  }
0x32: {  	s10 =	sld [smem:$0x3FA3];
	_ =	sdelay $0x3  }
0x33: {  	p0 =	seq.s32 s10, $0x1;
	s10 =	sld [smem:$0x3FA5];
	_ =	sdelay $0x3  }
0x34: {  	[smem:$0x3FA5] =	sst s10  }
0x35: {  	s10 =	sld [smem:$0x3FA4];
	_ =	sdelay $0x3  }
0x36: {  	p1 =	seq.s32 s10, $0x1;
	s10 =	sld [smem:$0x3FA5];
	_ =	sdelay $0x3  }
0x37: {  	[smem:$0x3FA5] =	sst s10  }
0x38: {  	s10 =	sld [smem:$0x3FA6]  }
0x39: {  	_ = 	snop;
	(pc) =	sbr.ind lr, $3  }
0x3a: {  	_ = 	snop  }
0x3b: {  	_ = 	snop  }
0x3c: {  	p2 =	seq.s32 s10, $0x1;
	s10 =	sld [smem:$0x3FA5]  }
0x3d: {  	_ =	shalt  }
0x3e: {  	_ =	shalt  }
0x3f: {  	_ =	shalt  }
0x40: {  	_ =	shalt  }
0x41: {  	_ =	shalt  }
0x42: {  	_ =	shalt  }
0x43: {  	_ =	shalt  }
0x44: {  	_ =	shalt  }
0x45: {  	_ =	shalt  }
0x46: {  	_ =	shalt  }
0x47: {  	_ =	shalt  }
0x48: {  	_ =	shalt  }
0x49: {  	_ =	shalt  }
0x4a: {  	_ =	shalt  }
0x4b: {  	_ =	shalt  }
0x4c: {  	_ =	shalt  }
0x4d: {  	_ =	shalt  }
0x4e: {  	_ =	shalt  }
0x4f: {  	_ =	shalt  }
0x50: {  	_ =	shalt  }
0x51: {  	_ =	shalt  }
0x52: {  	_ =	shalt  }
0x53: {  	_ =	shalt  }
0x54: {  	_ =	shalt  }
0x55: {  	_ =	shalt  }
0x56: {  	_ =	shalt  }
0x57: {  	_ =	shalt  }
0x58: {  	_ =	shalt  }
0x59: {  	_ =	shalt  }
0x5a: {  	_ =	shalt  }
0x5b: {  	_ =	shalt  }
0x5c: {  	_ =	shalt  }
0x5d: {  	_ =	shalt  }
0x5e: {  	_ =	shalt  }
0x5f: {  	_ =	shalt  }
0x60: {  	_ =	shalt  }
0x61: {  	_ =	shalt  }
0x62: {  	_ =	shalt  }
0x63: {  	_ =	shalt  }
0x64: {  	_ =	shalt  }
0x65: {  	_ =	shalt  }
0x66: {  	_ =	shalt  }
0x67: {  	_ =	shalt  }
0x68: {  	_ =	shalt  }
0x69: {  	_ =	shalt  }
0x6a: {  	_ =	shalt  }
0x6b: {  	_ =	shalt  }
0x6c: {  	_ =	shalt  }
0x6d: {  	_ =	shalt  }
0x6e: {  	_ =	shalt  }
0x6f: {  	_ =	shalt  }
0x70: {  	_ =	shalt  }
0x71: {  	_ =	shalt  }
0x72: {  	_ =	shalt  }
0x73: {  	_ =	shalt  }
0x74: {  	_ =	shalt  }
0x75: {  	_ =	shalt  }
0x76: {  	_ =	shalt  }
0x77: {  	_ =	shalt  }
0x78: {  	_ =	shalt  }
0x79: {  	_ =	shalt  }
0x7a: {  	_ =	shalt  }
0x7b: {  	_ =	shalt  }
0x7c: {  	_ =	shalt  }
0x7d: {  	_ =	shalt  }
0x7e: {  	_ =	shalt  }
0x7f: {  	_ =	shalt  }
0x80: {  	_ =	shalt  }
0x81: {  	_ =	shalt  }
0x82: {  	_ =	shalt  }
0x83: {  	_ =	shalt  }
0x84: {  	_ =	shalt  }
0x85: {  	_ =	shalt  }
0x86: {  	_ =	shalt  }
0x87: {  	_ =	shalt  }
.Lfunc_end0:
.L_simem_size_0:
called_computation.1_lowered:
.L_overlay_start_0:
0x88: {  	s2 =	sld [smem:$0x3FD9]  }
0x89: {  	s3 =	sld [smem:$0x3FFE];
	_ =	sdelay $0x1  }
0x8a: {  	s1 =	srdreg.scid  }
0x8b: {  	s0 =	sand.u32 $0x1, s1  }
0x8c: {  	s17 =	sshll.u32 s0, $0xA;
	s2 =	sadd.s32 s3, s2  }
0x8d: {  	s2 =	sadd.s32 s2, s17  }
0x8e: {  	[smem:$0x3FB1] =	sst s2  }
0x8f: {  	_ = 	snop  }
0x90: {  	(tm) =	ssettm $0x1  }
0x91: {  	s18 =	sld [smem:$0x3FFB];
	_ =	sdelay $0x3  }
0x92: {  	_ =	strace s18  }
0x93: {  	s2 =	sld [smem:$0x3FFC];
	_ =	sdelay $0x3  }
0x94: {  	_ =	strace s2  }
0x95: {  	s2 =	sld [smem:$0x3FFD];
	_ =	sdelay $0x3  }
0x96: {  	_ =	strace s2  }
0x97: {  	_ =	strace $0x8FFFFFFF  }
0x98: {  	s19 =	sld [smem:$0x3FDB];
	_ =	sdelay $0x1  }
0x99: {  	s20 =	simm.s32 $_scs_section_size  }
0x9a: {  	s4 =	simm.s32 $_size__tile_overlayer_lowered;
	s5 =	simm.s32 $_tile_overlayer_lowered  }
0x9b: {  	s6 =	simm.s32 $0x1BFF;
	s21 =	sshll.u32 s5, $0x1;
	s3 =	sadd.s32 s20, s19  }
0x9c: {  	s22 =	simm.s32 $0x0;
	s4 =	sshll.u32 s4, $0x1;
	s5 =	sadd.s32 s21, s3  }
0x9d: {  	[timem:s22], [sflag:s6] =	dma.local [hbm:s5], s4  }
0x9e: {  	_ =	swait.ge [sflag:s6], s4  }
0x9f: {  	s4 =	ssub.s32 $0x0, s4;
	[sflag:s6] =	ssyncset.done $0x0  }
0xa0: {  	[sflag:s6] =	ssyncadd.s32 s4;
	_ =	sdelay $0x1  }
0xa1: {  	s23 =	simm.s32 $0x1B8B  }
0xa2: {  	_ =	swait.ge [sflag:s23], $0x1  }
0xa3: {  	[sflag:s23] =	ssyncset.done $0x0  }
0xa4: {  	[sflag:s23] =	ssyncadd.s32 $0xFFFFFFFF  }
0xa5: {  	s4 =	sld [smem:$0x0]  }
0xa6: {  	s5 =	sand.u32 $0xFFFFFFFE, s1  }
0xa7: {  	p0 =	sne.s32 s1, s5  }
0xa8: {  	s5 =	sshll.u32 @p0 s5, $0xE  }
0xa9: {  	s5 =	sadd.s32 @p0 $0x11B8D, s5;
	s6 =	sshll.u32 @p0 s4, $0x11  }
0xaa: {  	s5 =	sor.u32 @p0 s6, s5  }
0xab: {  	[sflag:s5] =	ssyncadd.remote.s32 @p0 $0x1;
	_ =	sdelay $0x1  }
0xac: {  	s5 =	simm.s32 @p0 $0x1B8D  }
0xad: {  	_ =	swait.eq @p0 [sflag:s5], $0x1  }
0xae: {  	[sflag:s5] =	ssyncadd.s32 @p0 $0xFFFFFFFF  }
0xaf: {  	s6 =	sshll.u32 @!p0 s1, $0xE  }
0xb0: {  	s6 =	sor.u32 @!p0 $0x4000, s6;
	s5 =	simm.s32 @!p0 $0x1B8D  }
0xb1: {  	s4 =	sshll.u32 @!p0 s4, $0x11;
	s6 =	sadd.s32 @!p0 $0x11B8D, s6;
	_ =	swait.eq @!p0 [sflag:s5], $0x1  }
0xb2: {  	s4 =	sor.u32 @!p0 s4, s6;
	[sflag:s5] =	ssyncadd.s32 @!p0 $0xFFFFFFFF  }
0xb3: {  	s25 =	simm.s32 $0x1B8E;
	s24 =	sld [smem:$0x3FFE];
	[sflag:s4] =	ssyncadd.remote.s32 @!p0 $0x1  }
0xb4: {  	s26 =	simm.s32 $execute0_lowered;
	[smem:$0x3FD2] =	sst s25  }
0xb5: {  	s5 =	sshll.u32 s26, $0x1;
	_ =	strace $0x80000049;
	[dreg:$0x1] =	wrdreg $0xFFFFFFFF  }
0xb6: {  	s28 =	simm.s32 $_size_execute0_lowered;
	s3 =	sadd.s32 s3, s5;
	[dreg:$0x0] =	wrdreg $0x0  }
0xb7: {  	s5 =	sshll.u32 s28, $0x1;
	[dreg:$0x2] =	wrdreg s3  }
0xb8: {  	[dreg:$0x3] =	wrdreg s5  }
0xb9: {  	[dreg:$0x4] =	wrdreg $0xC0  }
0xba: {  	_ =	task [dreg:s22], $0x5FFFF  }
0xbb: {  	[dreg:$0x1] =	wrdreg $0xFFFFFFFF  }
0xbc: {  	[dreg:$0x0] =	wrdreg $0x60  }
0xbd: {  	[dreg:$0x2] =	wrdreg s24  }
0xbe: {  	[dreg:$0x3] =	wrdreg $0x9  }
0xbf: {  	_ =	task.clear_ibuf [dreg:s22], $0x4FFFF;
	_ =	strace $0x90000049  }
0xc0: {  	s29 =	simm.s32 $0x9;
	_ =	strace $0x8000004B  }
0xc1: {  	_ =	swait.ge [sflag:s29], $0x1  }
0xc2: {  	[sflag:s29] =	ssyncadd.s32 $0xFFFFFFFF  }
0xc3: {  	_ =	strace $0x9000004B  }
0xc4: {  	_ =	sfence  }
0xc5: {  	s30 =	sld [smem:$0x0];
	_ =	sdelay $0x2  }
0xc6: {  	s31 =	sshll.u32 s1, $0xD;
	s1 =	sshrl.u32 s1, $0x2  }
0xc7: {  	s4 =	sand.u32 $0x4000, s31;
	s1 =	sadd.s32 s1, s30  }
0xc8: {  	s0 =	sor.u32 s4, s0;
	s1 =	sshll.u32 s1, $0x11  }
0xc9: {  	s0 =	sor.u32 s1, s0  }
0xca: {  	s0 =	sadd.s32 $0x8F2B, s0  }
0xcb: {  	[sflag:s0] =	ssyncadd.remote.s32 $0x1  }
0xcc: {  	_ =	sfence.sel $0xFFFF  }
0xcd: {  	[dreg:$0x0] =	wrdreg $0xFFFFFFFF;
	(pc) =	sbr.abs _section_cstart, $3  }
0xce: {  	[dreg:$0x1] =	wrdreg $0xFFFFFFFF  }
0xcf: {  	_ =	task.clear_ibuf [dreg:s22], $0x2FFFF;
	_ =	strace $0x9FFFFFFF  }
0xd0: {  	(tm) =	ssettm $0x7FFFFFFF  }
0xd1: {  	_ =	shalt  }
tec
execute0_lowered:
.L_overlay_start_1:
0x0: {  	(tag) =	ssettag $0x1  }
0x1: {  	s4 =	rddreg [dreg:$0x0]  }
0x2: {  	s0 =	rddreg [dreg:$0x1];
	s1 =	simm.s32 $0x0;
	s5 =	srdreg.scid  }
0x3: {  	s2 =	stileid.u32;
	[smem:$0x7FF] =	sst s1  }
0x4: {  	s3 =	sadd.s32 $0x687400, s4;
	s5 =	sand.u32 $0x1, s5;
	s6 =	sshll.u32 s2, $0x7  }
0x5: {  	s7 =	sshll.u32 s2, $0xE;
	_ =	strace $0x8000004A;
	s8 =	ssub.s32 $0x2, s5  }
0x6: {  	s6 =	sadd.s32 s6, s4;
	s7 =	sadd.s32 s7, s4;
	s9 =	sshll.u32 s5, $0xD  }
0x7: {  	s5 =	sshll.u32 s5, $0x6;
	s4 =	sshll.u32 s2, $0x1;
	s30 =	sshrl.u32 s8, $0x1  }
0x8: {  	s7 =	sadd.s32 s9, s7;
	s31 =	sadd.s32 s5, s6;
	s8 =	ssub.s32 s8, s30  }
0x9: {  	s6 =	sadd.s32 $0x12C8C00, s7;
	s7 =	sadd.s32 $0x67B000, s31;
	s5 =	smax.u32 s8, $0x1  }
.LBB2_1:
0xa: {  	s8 =	sadd.s32 $0x0, s4  }
0xb: {  	p0 =	sgt.u32 s8, $0x30D  }
0xc: {  	s8 =	simm.s32 @!p0 $0x0;
	s9 =	simm.s32 @!p0 $0x3  }
0xd: {  	[tilespmem:s8], [sflag:$0x3] =	stream.linear.gather @!p0 [hbm4b:s7+s8], $0x200, $0x38;
	[tilespmem:$0x10200] =	vst v63  }
0xe: {  	_ =	swait.ge @!p0 [sflag:s9], $0x200  }
0xf: {  	[sflag:s9] =	ssyncset.done @!p0 $0x0;
	p0 =	por p0, p0  }
0x10: {  	[sflag:s9] =	ssyncadd.s32 @!p0 $0xFFFFFE00;
	s10 =	simm.s32 @!p0 $0x200;
	s11 =	simm.s32 @!p0 $0x1  }
0x11: {  	[tilespmem:s10], [sflag:$0x1] =	stream.indirect.gather @!p0 [hbm4b:s3+s10], $0x80, s8, s10, $0xb8;
	[tilespmem:$0x10200] =	vst v63  }
0x12: {  	_ =	swait.ge @!p0 [sflag:s11], $0x10000  }
0x13: {  	[sflag:s11] =	ssyncset.done @!p0 $0x0  }
0x14: {  	s31 =	sadd.s32 $0x20, s4;
	[sflag:s11] =	ssyncadd.s32 @!p0 $0xFFFF0000;
	s11 =	simm.s32 @!p0 $0x2  }
0x15: {  	[hbm4b:s6+s8] =	stream.linear.scatter @!p0 [tilespmem:s10], [sflag:$0x2], $0x10000, $0x38;
	[tilespmem:$0x10200] =	vst v63  }
0x16: {  	p1 =	sgt.u32 s31, $0x30D;
	s9 =	simm.s32 $0x40;
	_ =	swait.ge @!p0 [sflag:s11], $0x10000  }
0x17: {  	s10 =	sadd.s32 $0x800, s7;
	s8 =	sadd.s32 $0x40000, s6;
	[sflag:s11] =	ssyncset.done @!p0 $0x0  }
.LBB2_2:
0x18: {  	s12 =	simm.s32 @!p1 $0x0;
	s13 =	simm.s32 @!p1 $0x3;
	[sflag:s11] =	ssyncadd.s32 @!p0 $0xFFFF0000  }
0x19: {  	[tilespmem:s12], [sflag:$0x3] =	stream.linear.gather @!p1 [hbm4b:s10+s12], $0x200, $0x38;
	[tilespmem:$0x10200] =	vst v63  }
0x1a: {  	s14 =	smov.u32 s9;
	s9 =	sadd.s32 $0x20, s9;
	_ =	swait.ge @!p1 [sflag:s13], $0x200  }
0x1b: {  	p0 =	por p1, p1;
	p2 =	sne.s32 s9, $0x320;
	[sflag:s13] =	ssyncset.done @!p1 $0x0  }
0x1c: {  	s11 =	simm.s32 @!p0 $0x1;
	[sflag:s13] =	ssyncadd.s32 @!p0 $0xFFFFFE00;
	s13 =	simm.s32 @!p0 $0x200  }
0x1d: {  	[tilespmem:s13], [sflag:$0x1] =	stream.indirect.gather @!p0 [hbm4b:s3+s13], $0x80, s12, s13, $0xb8;
	[tilespmem:$0x10200] =	vst v63  }
0x1e: {  	_ =	swait.ge @!p0 [sflag:s11], $0x10000  }
.Ltmp0:
0x1f: {  	[sflag:s11] =	ssyncset.done @!p0 $0x0;
	(pc) =	sbr.rel @p2 .LBB2_2-.Ltmp0, $4  }
0x20: {  	[sflag:s11] =	ssyncadd.s32 @!p0 $0xFFFF0000;
	s11 =	simm.s32 @!p0 $0x2  }
0x21: {  	[hbm4b:s8+s12] =	stream.linear.scatter @!p0 [tilespmem:s13], [sflag:$0x2], $0x10000, $0x38;
	[tilespmem:$0x10200] =	vst v63  }
0x22: {  	s10 =	sadd.s32 $0x800, s10;
	s12 =	sadd.s32 s14, s4;
	_ =	swait.ge @!p0 [sflag:s11], $0x10000  }
0x23: {  	s8 =	sadd.s32 $0x40000, s8;
	p1 =	sgt.u32 s12, $0x30D;
	[sflag:s11] =	ssyncset.done @!p0 $0x0  }
0x24: {  	s9 =	simm.s32 @!p1 $0x0;
	s12 =	simm.s32 @!p1 $0x3;
	[sflag:s11] =	ssyncadd.s32 @!p0 $0xFFFF0000  }
0x25: {  	[tilespmem:s9], [sflag:$0x3] =	stream.linear.gather @!p1 [hbm4b:s10+s9], $0x200, $0x38;
	[tilespmem:$0x10200] =	vst v63  }
0x26: {  	_ =	swait.ge @!p1 [sflag:s12], $0x200  }
0x27: {  	p0 =	por p1, p1;
	[sflag:s12] =	ssyncset.done @!p1 $0x0  }
0x28: {  	s10 =	simm.s32 @!p0 $0x200;
	s11 =	simm.s32 @!p0 $0x1;
	[sflag:s12] =	ssyncadd.s32 @!p0 $0xFFFFFE00  }
0x29: {  	[tilespmem:s10], [sflag:$0x1] =	stream.indirect.gather @!p0 [hbm4b:s3+s10], $0x80, s9, s10, $0xb8;
	[tilespmem:$0x10200] =	vst v63  }
0x2a: {  	s1 =	sadd.s32 $0x1, s1;
	_ =	swait.ge @!p0 [sflag:s11], $0x10000  }
0x2b: {  	p1 =	sne.s32 s1, s5;
	[sflag:s11] =	ssyncset.done @!p0 $0x0  }
.Ltmp1:
0x2c: {  	[sflag:s11] =	ssyncadd.s32 @!p0 $0xFFFF0000;
	s11 =	simm.s32 @!p0 $0x2;
	(pc) =	sbr.rel @p1 .LBB2_1-.Ltmp1, $4  }
0x2d: {  	[hbm4b:s8+s9] =	stream.linear.scatter @!p0 [tilespmem:s10], [sflag:$0x2], $0x10000, $0x38;
	[tilespmem:$0x10200] =	vst v63  }
0x2e: {  	_ =	swait.ge @!p0 [sflag:s11], $0x10000  }
0x2f: {  	[sflag:s11] =	ssyncset.done @!p0 $0x0  }
0x30: {  	[sflag:s11] =	ssyncadd.s32 @!p0 $0xFFFF0000  }
0x31: {  	_ =	sfence.sel $0x180000  }
0x32: {  	[bflag:$0x0] =	sbarrier.arrive $0xFFFF  }
0x33: {  	p0 =	sne.s32 s2, $0x0;
	_ =	strace $0x9000004A  }
0x34: {  	s0 =	sadd.s32 @!p0 $0x100000, s0;
	[bflag:$0x2] =	sbarrier.arrive $0xFFFF  }
0x35: {  	[sflag:s0] =	ssyncadd.tile.s32 @!p0 $0x1;
	_ =	shalt  }
.Lfunc_end2:
_tile_overlayer_lowered:
.L_overlay_start_2:
0x36: {  	(tag) =	ssettag $0x2  }
0x37: {  	s0 =	rddreg [dreg:$0x0];
	s2 =	stileid.u32  }
0x38: {  	s1 =	rddreg [dreg:$0x1];
	p0 =	sne.s32 s2, $0x0  }
0x39: {  	s3 =	rddreg [dreg:$0x2];
	[bflag:$0x3] =	sbarrier.arrive $0xFFFF;
	s2 =	simm.s32 @!p0 $0x1C02  }
0x3a: {  	[timem:s3], [sflag:s2] =	dma.local @!p0 [hbm:s0], s1  }
0x3b: {  	s0 =	simm.s32 @!p0 $0x2  }
0x3c: {  	_ =	swait.ge @!p0 [sflag:s0], s1  }
0x3d: {  	s1 =	ssub.s32 @!p0 $0x0, s1;
	[sflag:s0] =	ssyncset.done @!p0 $0x0  }
0x3e: {  	[sflag:s0] =	ssyncadd.s32 @!p0 s1  }
0x3f: {  	[bflag:$0x3] =	sbarrier.arrive $0xFFFF  }
0x40: {  	_ =	shalt  }

// kernel: kernel.18.cloned.1.call-start
scs
__scs_entry_jumppad:
0x0: {  	(pc) =	sbr.rel $0x88, $3  }
0x1: {  	(tag) =	ssettag $0x0;
	lr =	simm.s32 $0x1  }
0x2: {  	[smem:$0x3F8A] =	sst lr;
	_ =	strace $0xD0000000  }
0x3: {  	_ = 	snop  }
0x4: {  	_ = 	snop  }
0x5: {  	_ = 	snop  }
0x6: {  	_ = 	snop  }
0x7: {  	_ = 	snop  }
__scs_overlays_trampoline_lowered:
0x8: {  	[smem:$0x3F99] =	sst s0  }
0x9: {  	[smem:$0x3F9A] =	sst s1  }
0xa: {  	[smem:$0x3F9B] =	sst s2  }
0xb: {  	[smem:$0x3F9C] =	sst s3  }
0xc: {  	[smem:$0x3F9D] =	sst s4  }
0xd: {  	[smem:$0x3F9E] =	sst s5  }
0xe: {  	[smem:$0x3F9F] =	sst s6  }
0xf: {  	[smem:$0x3FA0] =	sst s7  }
0x10: {  	[smem:$0x3FA1] =	sst s8  }
0x11: {  	[smem:$0x3FA2] =	sst s9;
	s0 =	simm.s32 @!p0 $0x0  }
0x12: {  	s1 =	sld [smem:$0x3F88];
	s0 =	simm.s32 @p0 $0x1  }
0x13: {  	[smem:$0x3FA3] =	sst s0;
	s0 =	simm.s32 @!p1 $0x0  }
0x14: {  	s2 =	sld [smem:$0x3F87];
	s0 =	simm.s32 @p1 $0x1  }
0x15: {  	[smem:$0x3FA4] =	sst s0;
	s0 =	simm.s32 @!p2 $0x0  }
0x16: {  	s3 =	sld [smem:$0x3FDB];
	s0 =	simm.s32 @p2 $0x1  }
0x17: {  	s4 =	simm.s32 $0x1BF5;
	[smem:$0x3FA6] =	sst s0  }
0x18: {  	s0 =	sld [smem:$0x3F89];
	_ =	swait.ge [sflag:s4], $0x0  }
0x19: {  	s7 =	sld [smem:$0x3F8A]  }
0x1a: {  	s8 =	sadd.s32 $0xFFFFE003, lr  }
0x1b: {  	s9 =	sadd.s32 $0xFFFFFEF7, lr;
	s5 =	simm.s32 $0xFFFFFFFF;
	p2 =	slt.u32 s8, $0xFFFFF086  }
0x1c: {  	p1 =	slt.u32 s9, $0xF7A;
	s5 =	simm.s32 @!p2 $0x0  }
0x1d: {  	s5 =	simm.s32 @p1 $0x1;
	p0 =	seq.s32 s7, s2  }
0x1e: {  	s7 =	smul.u32 @!p0 $0xF7A, s2;
	p2 =	seq.s32 @!p0 s5, $0x0  }
0x1f: {  	s9 =	smul.u32 $0xF7A, s1;
	s8 =	simm.s32 @!p0 $0x1BF5;
	p2 =	por !p2, p0  }
0x20: {  	[sflag:s8] =	ssyncset.s32 @!p0 $0xFFFFF086;
	s6 =	sadd.s32 @!p0 s3, s7;
	s7 =	simm.s32 @!p0 $0x108  }
0x21: {  	s3 =	sadd.s32 s3, s9;
	s6 =	sadd.s32 @!p0 $0x88, s6;
	s7 =	simm.s32 @p2 $0x1082  }
0x22: {  	[simem:s7], [sflag:s8] =	dma.local @!p0 [hbm:s6], $0xF7A  }
0x23: {  	s9 =	sor.u32 $0xD0000000, s2;
	s6 =	simm.s32 $0x108;
	_ =	swait.ge @!p0 [sflag:s8], $0x0  }
0x24: {  	s3 =	sadd.s32 $0x88, s3;
	s6 =	simm.s32 @!p1 $0x1082;
	[sflag:s4] =	ssyncset.s32 $0xFFFFF086  }
0x25: {  	[simem:s6], [sflag:s4] =	dma.local [hbm:s3], $0xF7A  }
0x26: {  	[smem:$0x3F8A] =	sst s1;
	(tag) =	ssettag s2;
	_ =	strace s9  }
0x27: {  	s1 =	sld [smem:$0x3F9A]  }
0x28: {  	s2 =	sld [smem:$0x3F9B]  }
0x29: {  	s4 =	sld [smem:$0x3F9D]  }
0x2a: {  	p0 =	seq.s32 s5, $0x0;
	s5 =	sld [smem:$0x3F9E]  }
0x2b: {  	s6 =	sld [smem:$0x3F9F]  }
0x2c: {  	s7 =	sld [smem:$0x3FA0]  }
0x2d: {  	s3 =	simm.s32 $0x108;
	s8 =	sld [smem:$0x3FA1]  }
0x2e: {  	s3 =	simm.s32 @!p0 $0x1082;
	s9 =	sld [smem:$0x3FA2]  }
0x2f: {  	lr =	sadd.s32 s0, s3;
	s0 =	sld [smem:$0x3F99]  }
0x30: {  	s3 =	sld [smem:$0x3F9C]  }
0x31: {  	[smem:$0x3FA5] =	sst s10  }
0x32: {  	s10 =	sld [smem:$0x3FA3];
	_ =	sdelay $0x3  }
0x33: {  	p0 =	seq.s32 s10, $0x1;
	s10 =	sld [smem:$0x3FA5];
	_ =	sdelay $0x3  }
0x34: {  	[smem:$0x3FA5] =	sst s10  }
0x35: {  	s10 =	sld [smem:$0x3FA4];
	_ =	sdelay $0x3  }
0x36: {  	p1 =	seq.s32 s10, $0x1;
	s10 =	sld [smem:$0x3FA5];
	_ =	sdelay $0x3  }
0x37: {  	[smem:$0x3FA5] =	sst s10  }
0x38: {  	s10 =	sld [smem:$0x3FA6]  }
0x39: {  	_ = 	snop;
	(pc) =	sbr.ind lr, $3  }
0x3a: {  	_ = 	snop  }
0x3b: {  	_ = 	snop  }
0x3c: {  	p2 =	seq.s32 s10, $0x1;
	s10 =	sld [smem:$0x3FA5]  }
0x3d: {  	_ =	shalt  }
0x3e: {  	_ =	shalt  }
0x3f: {  	_ =	shalt  }
0x40: {  	_ =	shalt  }
0x41: {  	_ =	shalt  }
0x42: {  	_ =	shalt  }
0x43: {  	_ =	shalt  }
0x44: {  	_ =	shalt  }
0x45: {  	_ =	shalt  }
0x46: {  	_ =	shalt  }
0x47: {  	_ =	shalt  }
0x48: {  	_ =	shalt  }
0x49: {  	_ =	shalt  }
0x4a: {  	_ =	shalt  }
0x4b: {  	_ =	shalt  }
0x4c: {  	_ =	shalt  }
0x4d: {  	_ =	shalt  }
0x4e: {  	_ =	shalt  }
0x4f: {  	_ =	shalt  }
0x50: {  	_ =	shalt  }
0x51: {  	_ =	shalt  }
0x52: {  	_ =	shalt  }
0x53: {  	_ =	shalt  }
0x54: {  	_ =	shalt  }
0x55: {  	_ =	shalt  }
0x56: {  	_ =	shalt  }
0x57: {  	_ =	shalt  }
0x58: {  	_ =	shalt  }
0x59: {  	_ =	shalt  }
0x5a: {  	_ =	shalt  }
0x5b: {  	_ =	shalt  }
0x5c: {  	_ =	shalt  }
0x5d: {  	_ =	shalt  }
0x5e: {  	_ =	shalt  }
0x5f: {  	_ =	shalt  }
0x60: {  	_ =	shalt  }
0x61: {  	_ =	shalt  }
0x62: {  	_ =	shalt  }
0x63: {  	_ =	shalt  }
0x64: {  	_ =	shalt  }
0x65: {  	_ =	shalt  }
0x66: {  	_ =	shalt  }
0x67: {  	_ =	shalt  }
0x68: {  	_ =	shalt  }
0x69: {  	_ =	shalt  }
0x6a: {  	_ =	shalt  }
0x6b: {  	_ =	shalt  }
0x6c: {  	_ =	shalt  }
0x6d: {  	_ =	shalt  }
0x6e: {  	_ =	shalt  }
0x6f: {  	_ =	shalt  }
0x70: {  	_ =	shalt  }
0x71: {  	_ =	shalt  }
0x72: {  	_ =	shalt  }
0x73: {  	_ =	shalt  }
0x74: {  	_ =	shalt  }
0x75: {  	_ =	shalt  }
0x76: {  	_ =	shalt  }
0x77: {  	_ =	shalt  }
0x78: {  	_ =	shalt  }
0x79: {  	_ =	shalt  }
0x7a: {  	_ =	shalt  }
0x7b: {  	_ =	shalt  }
0x7c: {  	_ =	shalt  }
0x7d: {  	_ =	shalt  }
0x7e: {  	_ =	shalt  }
0x7f: {  	_ =	shalt  }
0x80: {  	_ =	shalt  }
0x81: {  	_ =	shalt  }
0x82: {  	_ =	shalt  }
0x83: {  	_ =	shalt  }
0x84: {  	_ =	shalt  }
0x85: {  	_ =	shalt  }
0x86: {  	_ =	shalt  }
0x87: {  	_ =	shalt  }
.Lfunc_end0:
.L_simem_size_0:
called_computation.2_lowered:
.L_overlay_start_0:
0x88: {  	s2 =	sld [smem:$0x3FD9]  }
0x89: {  	s3 =	sld [smem:$0x3FFE];
	_ =	sdelay $0x1  }
0x8a: {  	s1 =	srdreg.scid  }
0x8b: {  	s0 =	sand.u32 $0x1, s1  }
0x8c: {  	s15 =	sshll.u32 s0, $0xA;
	s2 =	sadd.s32 s3, s2  }
0x8d: {  	s2 =	sadd.s32 s2, s15  }
0x8e: {  	[smem:$0x3FB1] =	sst s2  }
0x8f: {  	_ = 	snop  }
0x90: {  	s2 =	sld [smem:$0x3FD0];
	_ =	sdelay $0x2  }
0x91: {  	s16 =	simm.s32 $0xB;
	s4 =	simm.s32 $0x10  }
0x92: {  	[smem:s4], [sflag:s16] =	dma.local [hbm:s2], $0x1  }
0x93: {  	_ =	swait.eq [sflag:s16], $0x1  }
0x94: {  	[sflag:s16] =	ssyncset.done $0x0  }
0x95: {  	[sflag:s16] =	ssyncadd.s32 $0xFFFFFFFF  }
0x96: {  	s17 =	sld [smem:$0x11];
	(tm) =	ssettm $0x1  }
0x97: {  	s18 =	sld [smem:$0x3FFB];
	_ =	sdelay $0x3  }
0x98: {  	_ =	strace s18  }
0x99: {  	s2 =	sld [smem:$0x3FFC];
	_ =	sdelay $0x3  }
0x9a: {  	_ =	strace s2  }
0x9b: {  	s2 =	sld [smem:$0x3FFD];
	_ =	sdelay $0x3  }
0x9c: {  	_ =	strace s2  }
0x9d: {  	_ =	strace $0x8FFFFFFF  }
0x9e: {  	s19 =	sld [smem:$0x3FDB];
	_ =	sdelay $0x1  }
0x9f: {  	s20 =	simm.s32 $_scs_section_size  }
0xa0: {  	s5 =	simm.s32 $_size__tile_overlayer_lowered;
	s6 =	simm.s32 $_tile_overlayer_lowered  }
0xa1: {  	s7 =	simm.s32 $0x1BFF;
	s21 =	sshll.u32 s6, $0x1;
	s4 =	sadd.s32 s20, s19  }
0xa2: {  	s22 =	simm.s32 $0x0;
	s5 =	sshll.u32 s5, $0x1;
	s6 =	sadd.s32 s21, s4  }
0xa3: {  	[timem:s22], [sflag:s7] =	dma.local [hbm:s6], s5  }
0xa4: {  	_ =	swait.ge [sflag:s7], s5  }
0xa5: {  	s5 =	ssub.s32 $0x0, s5;
	[sflag:s7] =	ssyncset.done $0x0  }
0xa6: {  	[sflag:s7] =	ssyncadd.s32 s5;
	_ =	sdelay $0x1  }
0xa7: {  	s23 =	simm.s32 $0x1B8B  }
0xa8: {  	_ =	swait.ge [sflag:s23], $0x1  }
0xa9: {  	[sflag:s23] =	ssyncset.done $0x0  }
0xaa: {  	[sflag:s23] =	ssyncadd.s32 $0xFFFFFFFF  }
0xab: {  	s5 =	sld [smem:$0x0]  }
0xac: {  	s6 =	sand.u32 $0xFFFFFFFE, s1  }
0xad: {  	p0 =	sne.s32 s1, s6  }
0xae: {  	s6 =	sshll.u32 @p0 s6, $0xE  }
0xaf: {  	s6 =	sadd.s32 @p0 $0x11B8D, s6;
	s7 =	sshll.u32 @p0 s5, $0x11  }
0xb0: {  	s6 =	sor.u32 @p0 s7, s6  }
0xb1: {  	[sflag:s6] =	ssyncadd.remote.s32 @p0 $0x1;
	_ =	sdelay $0x1  }
0xb2: {  	s6 =	simm.s32 @p0 $0x1B8D  }
0xb3: {  	_ =	swait.eq @p0 [sflag:s6], $0x1  }
0xb4: {  	[sflag:s6] =	ssyncadd.s32 @p0 $0xFFFFFFFF  }
0xb5: {  	s7 =	sshll.u32 @!p0 s1, $0xE  }
0xb6: {  	s7 =	sor.u32 @!p0 $0x4000, s7;
	s6 =	simm.s32 @!p0 $0x1B8D  }
0xb7: {  	s5 =	sshll.u32 @!p0 s5, $0x11;
	s7 =	sadd.s32 @!p0 $0x11B8D, s7;
	_ =	swait.eq @!p0 [sflag:s6], $0x1  }
0xb8: {  	s5 =	sor.u32 @!p0 s5, s7;
	[sflag:s6] =	ssyncadd.s32 @!p0 $0xFFFFFFFF  }
0xb9: {  	s25 =	simm.s32 $0x1B8E;
	s24 =	sld [smem:$0x3FFE];
	[sflag:s5] =	ssyncadd.remote.s32 @!p0 $0x1  }
0xba: {  	s26 =	simm.s32 $execute0_lowered;
	[smem:$0x3FD2] =	sst s25  }
0xbb: {  	s6 =	sshll.u32 s26, $0x1;
	_ =	strace $0x8000004C;
	[dreg:$0x1] =	wrdreg $0xFFFFFFFF  }
0xbc: {  	s28 =	simm.s32 $_size_execute0_lowered;
	s4 =	sadd.s32 s4, s6;
	[dreg:$0x0] =	wrdreg $0x0  }
0xbd: {  	s6 =	sshll.u32 s28, $0x1;
	[dreg:$0x2] =	wrdreg s4  }
0xbe: {  	[dreg:$0x3] =	wrdreg s6  }
0xbf: {  	[dreg:$0x4] =	wrdreg $0xC0  }
0xc0: {  	_ =	task [dreg:s22], $0x5FFFF  }
0xc1: {  	[dreg:$0x1] =	wrdreg $0xFFFFFFFF  }
0xc2: {  	[dreg:$0x0] =	wrdreg $0x60  }
0xc3: {  	[dreg:$0x2] =	wrdreg s17  }
0xc4: {  	[dreg:$0x3] =	wrdreg s24  }
0xc5: {  	[dreg:$0x4] =	wrdreg $0xA  }
0xc6: {  	_ =	task.clear_ibuf [dreg:s22], $0x5FFFF;
	_ =	strace $0x9000004C  }
0xc7: {  	s29 =	simm.s32 $0xA;
	_ =	strace $0x8000004E  }
0xc8: {  	_ =	swait.ge [sflag:s29], $0x1  }
0xc9: {  	[sflag:s29] =	ssyncadd.s32 $0xFFFFFFFF  }
0xca: {  	_ =	strace $0x9000004E  }
0xcb: {  	_ =	sfence  }
0xcc: {  	s30 =	sld [smem:$0x0];
	_ =	sdelay $0x2  }
0xcd: {  	s31 =	sshll.u32 s1, $0xD;
	s1 =	sshrl.u32 s1, $0x2  }
0xce: {  	s4 =	sand.u32 $0x4000, s31;
	s1 =	sadd.s32 s1, s30  }
0xcf: {  	s0 =	sor.u32 s4, s0;
	s1 =	sshll.u32 s1, $0x11  }
0xd0: {  	s0 =	sor.u32 s1, s0  }
0xd1: {  	s0 =	sadd.s32 $0x8F2B, s0  }
0xd2: {  	[sflag:s0] =	ssyncadd.remote.s32 $0x1  }
0xd3: {  	_ =	sfence.sel $0xFFFF  }
0xd4: {  	[dreg:$0x0] =	wrdreg $0xFFFFFFFF;
	(pc) =	sbr.abs _section_cstart, $3  }
0xd5: {  	[dreg:$0x1] =	wrdreg $0xFFFFFFFF  }
0xd6: {  	_ =	task.clear_ibuf [dreg:s22], $0x2FFFF;
	_ =	strace $0x9FFFFFFF  }
0xd7: {  	(tm) =	ssettm $0x7FFFFFFF  }
tec
execute0_lowered:
.L_overlay_start_1:
0x0: {  	(tag) =	ssettag $0x1  }
0x1: {  	s1 =	rddreg [dreg:$0x0]  }
0x2: {  	s4 =	rddreg [dreg:$0x1]  }
0x3: {  	s0 =	rddreg [dreg:$0x2]  }
0x4: {  	s3 =	simm.s32 $0x0;
	s5 =	srdreg.scid;
	s2 =	stileid.u32  }
0x5: {  	[smem:$0x7FF] =	sst s3;
	s5 =	sand.u32 $0x1, s5;
	s6 =	sshll.u32 s2, $0x7  }
0x6: {  	s7 =	sshll.u32 s2, $0xE;
	_ =	strace $0x8000004D;
	s8 =	ssub.s32 $0x2, s5  }
0x7: {  	s6 =	sadd.s32 s6, s4;
	s7 =	sadd.s32 s7, s4;
	s9 =	sshll.u32 s5, $0xD  }
0x8: {  	s5 =	sshll.u32 s5, $0x6;
	s4 =	sshll.u32 s2, $0x1;
	s30 =	sshrl.u32 s8, $0x1  }
0x9: {  	s7 =	sadd.s32 s9, s7;
	s31 =	sadd.s32 s5, s6;
	s8 =	ssub.s32 s8, s30  }
0xa: {  	s6 =	sadd.s32 $0x5F000, s7;
	s7 =	sadd.s32 $0x4A00, s31;
	s5 =	smax.u32 s8, $0x1  }
.LBB2_1:
0xb: {  	s8 =	sadd.s32 $0x0, s4  }
0xc: {  	p0 =	sgt.u32 s8, $0x30D  }
0xd: {  	s8 =	simm.s32 @!p0 $0x0;
	s9 =	simm.s32 @!p0 $0x3  }
0xe: {  	[tilespmem:s8], [sflag:$0x3] =	stream.linear.gather @!p0 [hbm4b:s7+s8], $0x200, $0x38;
	[tilespmem:$0x10200] =	vst v63  }
0xf: {  	_ =	swait.ge @!p0 [sflag:s9], $0x200  }
0x10: {  	[sflag:s9] =	ssyncset.done @!p0 $0x0;
	p0 =	por p0, p0  }
0x11: {  	[sflag:s9] =	ssyncadd.s32 @!p0 $0xFFFFFE00;
	s10 =	simm.s32 @!p0 $0x200;
	s11 =	simm.s32 @!p0 $0x1  }
0x12: {  	[tilespmem:s10], [sflag:$0x1] =	stream.indirect.gather @!p0 [hbm4b:s1+s10], $0x80, s8, s10, $0xb8;
	[tilespmem:$0x10200] =	vst v63  }
0x13: {  	_ =	swait.ge @!p0 [sflag:s11], $0x10000  }
0x14: {  	[sflag:s11] =	ssyncset.done @!p0 $0x0  }
0x15: {  	s31 =	sadd.s32 $0x20, s4;
	[sflag:s11] =	ssyncadd.s32 @!p0 $0xFFFF0000;
	s11 =	simm.s32 @!p0 $0x2  }
0x16: {  	[hbm4b:s6+s8] =	stream.linear.scatter @!p0 [tilespmem:s10], [sflag:$0x2], $0x10000, $0x38;
	[tilespmem:$0x10200] =	vst v63  }
0x17: {  	p1 =	sgt.u32 s31, $0x30D;
	s9 =	simm.s32 $0x40;
	_ =	swait.ge @!p0 [sflag:s11], $0x10000  }
0x18: {  	s10 =	sadd.s32 $0x800, s7;
	s8 =	sadd.s32 $0x40000, s6;
	[sflag:s11] =	ssyncset.done @!p0 $0x0  }
.LBB2_2:
0x19: {  	s12 =	simm.s32 @!p1 $0x0;
	s13 =	simm.s32 @!p1 $0x3;
	[sflag:s11] =	ssyncadd.s32 @!p0 $0xFFFF0000  }
0x1a: {  	[tilespmem:s12], [sflag:$0x3] =	stream.linear.gather @!p1 [hbm4b:s10+s12], $0x200, $0x38;
	[tilespmem:$0x10200] =	vst v63  }
0x1b: {  	s14 =	smov.u32 s9;
	s9 =	sadd.s32 $0x20, s9;
	_ =	swait.ge @!p1 [sflag:s13], $0x200  }
0x1c: {  	p0 =	por p1, p1;
	p2 =	sne.s32 s9, $0x320;
	[sflag:s13] =	ssyncset.done @!p1 $0x0  }
0x1d: {  	s11 =	simm.s32 @!p0 $0x1;
	[sflag:s13] =	ssyncadd.s32 @!p0 $0xFFFFFE00;
	s13 =	simm.s32 @!p0 $0x200  }
0x1e: {  	[tilespmem:s13], [sflag:$0x1] =	stream.indirect.gather @!p0 [hbm4b:s1+s13], $0x80, s12, s13, $0xb8;
	[tilespmem:$0x10200] =	vst v63  }
0x1f: {  	_ =	swait.ge @!p0 [sflag:s11], $0x10000  }
.Ltmp0:
0x20: {  	[sflag:s11] =	ssyncset.done @!p0 $0x0;
	(pc) =	sbr.rel @p2 .LBB2_2-.Ltmp0, $4  }
0x21: {  	[sflag:s11] =	ssyncadd.s32 @!p0 $0xFFFF0000;
	s11 =	simm.s32 @!p0 $0x2  }
0x22: {  	[hbm4b:s8+s12] =	stream.linear.scatter @!p0 [tilespmem:s13], [sflag:$0x2], $0x10000, $0x38;
	[tilespmem:$0x10200] =	vst v63  }
0x23: {  	s10 =	sadd.s32 $0x800, s10;
	s12 =	sadd.s32 s14, s4;
	_ =	swait.ge @!p0 [sflag:s11], $0x10000  }
0x24: {  	s8 =	sadd.s32 $0x40000, s8;
	p1 =	sgt.u32 s12, $0x30D;
	[sflag:s11] =	ssyncset.done @!p0 $0x0  }
0x25: {  	s9 =	simm.s32 @!p1 $0x0;
	s12 =	simm.s32 @!p1 $0x3;
	[sflag:s11] =	ssyncadd.s32 @!p0 $0xFFFF0000  }
0x26: {  	[tilespmem:s9], [sflag:$0x3] =	stream.linear.gather @!p1 [hbm4b:s10+s9], $0x200, $0x38;
	[tilespmem:$0x10200] =	vst v63  }
0x27: {  	_ =	swait.ge @!p1 [sflag:s12], $0x200  }
0x28: {  	p0 =	por p1, p1;
	[sflag:s12] =	ssyncset.done @!p1 $0x0  }
0x29: {  	s10 =	simm.s32 @!p0 $0x200;
	s11 =	simm.s32 @!p0 $0x1;
	[sflag:s12] =	ssyncadd.s32 @!p0 $0xFFFFFE00  }
0x2a: {  	[tilespmem:s10], [sflag:$0x1] =	stream.indirect.gather @!p0 [hbm4b:s1+s10], $0x80, s9, s10, $0xb8;
	[tilespmem:$0x10200] =	vst v63  }
0x2b: {  	s3 =	sadd.s32 $0x1, s3;
	_ =	swait.ge @!p0 [sflag:s11], $0x10000  }
0x2c: {  	p1 =	sne.s32 s3, s5;
	[sflag:s11] =	ssyncset.done @!p0 $0x0  }
.Ltmp1:
0x2d: {  	[sflag:s11] =	ssyncadd.s32 @!p0 $0xFFFF0000;
	s11 =	simm.s32 @!p0 $0x2;
	(pc) =	sbr.rel @p1 .LBB2_1-.Ltmp1, $4  }
0x2e: {  	[hbm4b:s8+s9] =	stream.linear.scatter @!p0 [tilespmem:s10], [sflag:$0x2], $0x10000, $0x38;
	[tilespmem:$0x10200] =	vst v63  }
0x2f: {  	_ =	swait.ge @!p0 [sflag:s11], $0x10000  }
0x30: {  	[sflag:s11] =	ssyncset.done @!p0 $0x0  }
0x31: {  	[sflag:s11] =	ssyncadd.s32 @!p0 $0xFFFF0000  }
0x32: {  	_ =	sfence.sel $0x180000  }
0x33: {  	[bflag:$0x0] =	sbarrier.arrive $0xFFFF  }
0x34: {  	p0 =	sne.s32 s2, $0x0;
	_ =	strace $0x9000004D  }
0x35: {  	s0 =	sadd.s32 @!p0 $0x100000, s0;
	[bflag:$0x2] =	sbarrier.arrive $0xFFFF  }
0x36: {  	[sflag:s0] =	ssyncadd.tile.s32 @!p0 $0x1;
	_ =	shalt  }
.Lfunc_end2:
_tile_overlayer_lowered:
.L_overlay_start_2:
0x37: {  	(tag) =	ssettag $0x2  }
0x38: {  	s0 =	rddreg [dreg:$0x0];
	s2 =	stileid.u32  }
0x39: {  	s1 =	rddreg [dreg:$0x1];
	p0 =	sne.s32 s2, $0x0  }
0x3a: {  	s3 =	rddreg [dreg:$0x2];
	[bflag:$0x3] =	sbarrier.arrive $0xFFFF;
	s2 =	simm.s32 @!p0 $0x1C02  }
0x3b: {  	[timem:s3], [sflag:s2] =	dma.local @!p0 [hbm:s0], s1  }
0x3c: {  	s0 =	simm.s32 @!p0 $0x2  }
0x3d: {  	_ =	swait.ge @!p0 [sflag:s0], s1  }
0x3e: {  	s1 =	ssub.s32 @!p0 $0x0, s1;
	[sflag:s0] =	ssyncset.done @!p0 $0x0  }
0x3f: {  	[sflag:s0] =	ssyncadd.s32 @!p0 s1  }
0x40: {  	[bflag:$0x3] =	sbarrier.arrive $0xFFFF  }
0x41: {  	_ =	shalt  }

</sc_bundles>
